<compile_context>
chip_gen: v7x
topology: tpu7x:2x2x1
jax: 0.10.2.dev20260603
libtpu: 0.0.44.dev20260713+nightly
codegen_flags: <defaults>
</compile_context>

<pallas_src>
import functools

import jax
import jax.numpy as jnp
from jax import lax
from jax.experimental import pallas as pl
from jax.experimental.pallas import tpu as pltpu
from jax.experimental.pallas import tpu_sc as plsc

IN_F = 768
NE = 8
BETA_F = 1.0e6
V_IMP_F = 0.1

NS = 16
BT = 256

SC_CORES = 2
SC_SUBCORES = 16
SC_LANES = 16
NW = SC_CORES * SC_SUBCORES


NBUF = 16


def _tc_body(x_hbm, w_ref, g_ref, laux_ref, imp_ref, xbuf, insem, *, nb):
    c = pl.program_id(0)

    @pl.when(c == 0)
    def _():
        for b in range(NBUF):
            pltpu.make_async_copy(
                x_hbm.at[pl.ds(b * BT, BT)], xbuf.at[b], insem.at[b]
            ).start()

    b = lax.rem(c, NBUF)
    pltpu.make_async_copy(
        x_hbm.at[pl.ds(c * BT, BT)], xbuf.at[b], insem.at[b]
    ).wait()
    g = jnp.dot(xbuf[b], w_ref[...], preferred_element_type=jnp.float32)
    g_ref[...] = g
    bs = jnp.sum(g, axis=0, keepdims=True)

    @pl.when(c + NBUF < nb)
    def _():
        pltpu.make_async_copy(
            x_hbm.at[pl.ds((c + NBUF) * BT, BT)], xbuf.at[b], insem.at[b]
        ).start()

    @pl.when(c == 0)
    def _():
        imp_ref[...] = bs

    @pl.when(c != 0)
    def _():
        imp_ref[...] = imp_ref[...] + bs

    @pl.when(c == nb - 1)
    def _():
        imp = imp_ref[...]
        mean = jnp.mean(imp)
        var = jnp.sum((imp - mean) ** 2) * (1.0 / (NE - 1))
        laux_ref[...] = jnp.reshape(V_IMP_F * var / (mean * mean), (1, 1))


def _tc_router(x, wt):
    n = x.shape[0]
    nb = n // BT

    g, laux = pl.pallas_call(
        functools.partial(_tc_body, nb=nb),
        grid=(nb,),
        in_specs=[
            pl.BlockSpec(memory_space=pltpu.MemorySpace.HBM),
            pl.BlockSpec((IN_F, NE), lambda i: (0, 0)),
        ],
        out_specs=[
            pl.BlockSpec((BT, NE), lambda i: (i, 0)),
            pl.BlockSpec((1, 1), lambda i: (0, 0)),
        ],
        out_shape=[
            jax.ShapeDtypeStruct((n, NE), jnp.float32),
            jax.ShapeDtypeStruct((1, 1), jnp.float32),
        ],
        scratch_shapes=[
            pltpu.VMEM((1, NE), jnp.float32),
            pltpu.VMEM((NBUF, BT, IN_F), jnp.float32),
            pltpu.SemaphoreType.DMA((NBUF,)),
        ],
    )(x, wt)
    return g, laux


def _sc_gates(gflat, n):
    per_w = n // NW
    flat_w = per_w * NE
    mesh = plsc.VectorSubcoreMesh(
        core_axis_name="c", subcore_axis_name="s",
        num_cores=SC_CORES, num_subcores=SC_SUBCORES,
    )

    @functools.partial(
        pl.kernel,
        mesh=mesh,
        out_type=jax.ShapeDtypeStruct((n * NE,), jnp.float32),
        scratch_types=[
            pltpu.VMEM((flat_w,), jnp.float32),
            pltpu.VMEM((flat_w,), jnp.float32),
        ],
        compiler_params=pltpu.CompilerParams(needs_layout_passes=False),
    )
    def k(g_hbm, out_hbm, g_v, o_v):
        wid = lax.axis_index("c") * SC_SUBCORES + lax.axis_index("s")
        base = wid * flat_w
        pltpu.sync_copy(g_hbm.at[pl.ds(base, flat_w)], g_v)

        def body(t, carry):
            tbase = t * (SC_LANES * NE) + lax.iota(jnp.int32, SC_LANES) * NE
            vs = [plsc.load_gather(g_v, [tbase + e]) for e in range(NE)]
            best = vs[0]
            bi = jnp.zeros((SC_LANES,), jnp.int32)
            for e in range(1, NE):
                gt = vs[e] > best
                best = jnp.where(gt, vs[e], best)
                bi = jnp.where(gt, jnp.full((SC_LANES,), e, jnp.int32), bi)
            m = jnp.maximum(best, BETA_F)
            e_fill = jnp.exp(BETA_F - m)
            e_top = jnp.exp(best - m)
            inv = 1.0 / ((NE - 1) * e_fill + e_top)
            g_fill = e_fill * inv
            g_top = e_top * inv
            for e in range(NE):
                oe = jnp.where(bi == e, g_top, g_fill)
                plsc.store_scatter(o_v, [tbase + e], oe)
            return carry

        lax.fori_loop(0, per_w // SC_LANES, body, 0)
        pltpu.sync_copy(o_v, out_hbm.at[pl.ds(base, flat_w)])

    return k(gflat)


def kernel(x, W_g):
    wt = W_g.T
    g, laux = _tc_router(x, wt)
    n = x.shape[0]
    gates = jnp.reshape(_sc_gates(jnp.reshape(g, (-1,)), n), (n, NE))
    return gates, jnp.reshape(laux, ())

# --- scband reference (transcript-rebuilt; emitter-appended) ---
"""Pipeline reference for scband-sparse-router-66571993088219 (READ-ONLY COPY).

The authoritative reference and input builder live on the scoring server;
editing this copy changes nothing except your own understanding.
"""

import jax, jax.numpy as jnp
import numpy as np

IN_FEATURES = 768
NUM_EXPERTS = 8
TOPK = 1
BETA = 1e6
V_IMP = 0.1
V_LOAD = 0.1
N_TOKENS = 32768


def setup_inputs(seed: int = 0) -> dict:
    key = jax.random.key(seed)
    k1, k2 = jax.random.split(key)
    x = jax.random.normal(k1, (N_TOKENS, IN_FEATURES), dtype=jnp.float32)
    # nn.Linear(in_features, num_experts, bias=False) weight: [num_experts, in_features]
    W_g = jax.random.normal(k2, (NUM_EXPERTS, IN_FEATURES), dtype=jnp.float32) * 0.02
    return {"x": x, "W_g": W_g}


def _cv(v):
    # torch-style coefficient of variation: unbiased std / mean
    return jnp.std(v, ddof=1) / jnp.mean(v)


def reference(x, W_g):
    # g = W_g(x)
    g = x @ W_g.T
    # noisy=False branch: h = g, l_load = 0
    h = g
    l_load = 0.0
    imp = h.sum(axis=0)
    l_imp = _cv(imp) ** 2
    l_aux = V_IMP * l_imp + V_LOAD * l_load
    # KeepTopK: fill with beta, scatter top-k values back, then softmax
    values, indices = jax.lax.top_k(h, TOPK)
    masked = jnp.full_like(h, BETA)
    rows = jnp.arange(h.shape[0])[:, None]
    masked = masked.at[rows, indices].set(values)
    gates = jax.nn.softmax(masked, axis=-1)
    return (gates, l_aux)

if __name__ == "__main__":
    import jax
    _d = setup_inputs()
    print(jax.jit(kernel)(*tuple(_d.values())))

</pallas_src>

<mosaic_0001>
#map = affine_map<(d0, d1) -> (0)>
module attributes {stable_mosaic.version = 14 : i64} {
  func.func @k(%arg0: i32, %arg1: i32, %arg2: memref<262144xf32, #tpu.memory_space<hbm>>, %arg3: memref<262144xf32, #tpu.memory_space<hbm>>, %arg4: memref<8192xf32, #tpu.memory_space<vmem>>, %arg5: memref<8192xf32, #tpu.memory_space<vmem>>) attributes {dimension_semantics = [#tpu.dimension_semantics<core_parallel>, #tpu.dimension_semantics<subcore_parallel>], iteration_bounds = array<i64: 2, 16>, scalar_prefetch = 0 : i64, scratch_operands = 2 : i64, tpu.core_type = #tpu.core_type<sc_vector_subcore>, window_params = [{transform_indices = #map}, {transform_indices = #map}]} {
    %mul3A = arith.constant 16 : i32
    %mul3A_0 = arith.muli %arg0, %mul3A : i32
    %add3A = arith.addi %mul3A_0, %arg1 : i32
    %mul3A_1 = arith.constant 8192 : i32
    %mul3A_2 = arith.muli %add3A, %mul3A_1 : i32
    "tpu.region"() ({
      %run_scoped3A = tpu.sem_alloc : memref<!tpu.dma_semaphore, #tpu.memory_space<semaphore_mem>>
      %dma_start3A = tpu.memref_slice %arg2[%mul3A_2] : memref<262144xf32, #tpu.memory_space<hbm>> -> memref<8192xf32, #tpu.memory_space<hbm>>
      %dma_start3A_8 = tpu.memref_slice %arg2[%mul3A_2] : memref<262144xf32, #tpu.memory_space<hbm>> -> memref<8192xf32, #tpu.memory_space<hbm>>
      tpu.enqueue_dma source(%dma_start3A_8 : memref<8192xf32, #tpu.memory_space<hbm>>) target(%arg4 : memref<8192xf32, #tpu.memory_space<vmem>>) target_semaphore(%run_scoped3A : memref<!tpu.dma_semaphore, #tpu.memory_space<semaphore_mem>>)
      %dma_wait3A = tpu.memref_slice %arg2[%mul3A_2] : memref<262144xf32, #tpu.memory_space<hbm>> -> memref<8192xf32, #tpu.memory_space<hbm>>
      %dma_wait3A_9 = tpu.memref_slice %arg2[%mul3A_2] : memref<262144xf32, #tpu.memory_space<hbm>> -> memref<8192xf32, #tpu.memory_space<hbm>>
      tpu.wait_dma2 semaphore(%run_scoped3A : memref<!tpu.dma_semaphore, #tpu.memory_space<semaphore_mem>>) src(%dma_wait3A_9 : memref<8192xf32, #tpu.memory_space<hbm>>) dst(%arg4 : memref<8192xf32, #tpu.memory_space<vmem>>)
      tpu.yield
    }) : () -> ()
    %scan3A = arith.constant 0 : i32
    %scan3A_3 = arith.constant 0 : i32
    %scan3A_4 = arith.constant 64 : i32
    %scan3A_5 = arith.addi %scan3A_3, %scan3A_4 : i32
    %scan3A_6 = arith.constant 1 : i32
    scf.for %scan3A_8 = %scan3A_3 to %scan3A_5 step %scan3A_6  : i32 {
      %mul3A_9 = arith.constant 128 : i32
      %mul3A_10 = arith.muli %scan3A_8, %mul3A_9 : i32
      %iota3A = tpu.iota {dimensions = array<i32: 0>} : vector<16xi32>
      %mul3A_11 = arith.constant 8 : i32
      %mul3A_12 = vector.broadcast %mul3A_11 : i32 to vector<16xi32>
      %mul3A_13 = arith.muli %iota3A, %mul3A_12 : vector<16xi32>
      %add3A_14 = vector.broadcast %mul3A_10 : i32 to vector<16xi32>
      %add3A_15 = arith.addi %add3A_14, %mul3A_13 : vector<16xi32>
      %add3A_16 = arith.constant 0 : i32
      %add3A_17 = vector.broadcast %add3A_16 : i32 to vector<16xi32>
      %add3A_18 = arith.addi %add3A_15, %add3A_17 : vector<16xi32>
      %gather3A = tpu.vector_load_idx %arg4[%add3A_18] : memref<8192xf32, #tpu.memory_space<vmem>>[vector<16xi32>], vector<16xf32>,
      %add3A_19 = arith.constant 1 : i32
      %add3A_20 = vector.broadcast %add3A_19 : i32 to vector<16xi32>
      %add3A_21 = arith.addi %add3A_15, %add3A_20 : vector<16xi32>
      %gather3A_22 = tpu.vector_load_idx %arg4[%add3A_21] : memref<8192xf32, #tpu.memory_space<vmem>>[vector<16xi32>], vector<16xf32>,
      %add3A_23 = arith.constant 2 : i32
      %add3A_24 = vector.broadcast %add3A_23 : i32 to vector<16xi32>
      %add3A_25 = arith.addi %add3A_15, %add3A_24 : vector<16xi32>
      %gather3A_26 = tpu.vector_load_idx %arg4[%add3A_25] : memref<8192xf32, #tpu.memory_space<vmem>>[vector<16xi32>], vector<16xf32>,
      %add3A_27 = arith.constant 3 : i32
      %add3A_28 = vector.broadcast %add3A_27 : i32 to vector<16xi32>
      %add3A_29 = arith.addi %add3A_15, %add3A_28 : vector<16xi32>
      %gather3A_30 = tpu.vector_load_idx %arg4[%add3A_29] : memref<8192xf32, #tpu.memory_space<vmem>>[vector<16xi32>], vector<16xf32>,
      %add3A_31 = arith.constant 4 : i32
      %add3A_32 = vector.broadcast %add3A_31 : i32 to vector<16xi32>
      %add3A_33 = arith.addi %add3A_15, %add3A_32 : vector<16xi32>
      %gather3A_34 = tpu.vector_load_idx %arg4[%add3A_33] : memref<8192xf32, #tpu.memory_space<vmem>>[vector<16xi32>], vector<16xf32>,
      %add3A_35 = arith.constant 5 : i32
      %add3A_36 = vector.broadcast %add3A_35 : i32 to vector<16xi32>
      %add3A_37 = arith.addi %add3A_15, %add3A_36 : vector<16xi32>
      %gather3A_38 = tpu.vector_load_idx %arg4[%add3A_37] : memref<8192xf32, #tpu.memory_space<vmem>>[vector<16xi32>], vector<16xf32>,
      %add3A_39 = arith.constant 6 : i32
      %add3A_40 = vector.broadcast %add3A_39 : i32 to vector<16xi32>
      %add3A_41 = arith.addi %add3A_15, %add3A_40 : vector<16xi32>
      %gather3A_42 = tpu.vector_load_idx %arg4[%add3A_41] : memref<8192xf32, #tpu.memory_space<vmem>>[vector<16xi32>], vector<16xf32>,
      %add3A_43 = arith.constant 7 : i32
      %add3A_44 = vector.broadcast %add3A_43 : i32 to vector<16xi32>
      %add3A_45 = arith.addi %add3A_15, %add3A_44 : vector<16xi32>
      %gather3A_46 = tpu.vector_load_idx %arg4[%add3A_45] : memref<8192xf32, #tpu.memory_space<vmem>>[vector<16xi32>], vector<16xf32>,
      %broadcast_in_dim3A = arith.constant 0 : i32
      %broadcast_in_dim3A_47 = vector.broadcast %broadcast_in_dim3A : i32 to vector<16xi32>
      %gt3A = arith.cmpf ogt, %gather3A_22, %gather3A : vector<16xf32>
      %select_n3A = arith.select %gt3A, %gather3A_22, %gather3A : vector<16xi1>, vector<16xf32>
      %broadcast_in_dim3A_48 = arith.constant 1 : i32
      %broadcast_in_dim3A_49 = vector.broadcast %broadcast_in_dim3A_48 : i32 to vector<16xi32>
      %select_n3A_50 = arith.select %gt3A, %broadcast_in_dim3A_49, %broadcast_in_dim3A_47 : vector<16xi1>, vector<16xi32>
      %gt3A_51 = arith.cmpf ogt, %gather3A_26, %select_n3A : vector<16xf32>
      %select_n3A_52 = arith.select %gt3A_51, %gather3A_26, %select_n3A : vector<16xi1>, vector<16xf32>
      %broadcast_in_dim3A_53 = arith.constant 2 : i32
      %broadcast_in_dim3A_54 = vector.broadcast %broadcast_in_dim3A_53 : i32 to vector<16xi32>
      %select_n3A_55 = arith.select %gt3A_51, %broadcast_in_dim3A_54, %select_n3A_50 : vector<16xi1>, vector<16xi32>
      %gt3A_56 = arith.cmpf ogt, %gather3A_30, %select_n3A_52 : vector<16xf32>
      %select_n3A_57 = arith.select %gt3A_56, %gather3A_30, %select_n3A_52 : vector<16xi1>, vector<16xf32>
      %broadcast_in_dim3A_58 = arith.constant 3 : i32
      %broadcast_in_dim3A_59 = vector.broadcast %broadcast_in_dim3A_58 : i32 to vector<16xi32>
      %select_n3A_60 = arith.select %gt3A_56, %broadcast_in_dim3A_59, %select_n3A_55 : vector<16xi1>, vector<16xi32>
      %gt3A_61 = arith.cmpf ogt, %gather3A_34, %select_n3A_57 : vector<16xf32>
      %select_n3A_62 = arith.select %gt3A_61, %gather3A_34, %select_n3A_57 : vector<16xi1>, vector<16xf32>
      %broadcast_in_dim3A_63 = arith.constant 4 : i32
      %broadcast_in_dim3A_64 = vector.broadcast %broadcast_in_dim3A_63 : i32 to vector<16xi32>
      %select_n3A_65 = arith.select %gt3A_61, %broadcast_in_dim3A_64, %select_n3A_60 : vector<16xi1>, vector<16xi32>
      %gt3A_66 = arith.cmpf ogt, %gather3A_38, %select_n3A_62 : vector<16xf32>
      %select_n3A_67 = arith.select %gt3A_66, %gather3A_38, %select_n3A_62 : vector<16xi1>, vector<16xf32>
      %broadcast_in_dim3A_68 = arith.constant 5 : i32
      %broadcast_in_dim3A_69 = vector.broadcast %broadcast_in_dim3A_68 : i32 to vector<16xi32>
      %select_n3A_70 = arith.select %gt3A_66, %broadcast_in_dim3A_69, %select_n3A_65 : vector<16xi1>, vector<16xi32>
      %gt3A_71 = arith.cmpf ogt, %gather3A_42, %select_n3A_67 : vector<16xf32>
      %select_n3A_72 = arith.select %gt3A_71, %gather3A_42, %select_n3A_67 : vector<16xi1>, vector<16xf32>
      %broadcast_in_dim3A_73 = arith.constant 6 : i32
      %broadcast_in_dim3A_74 = vector.broadcast %broadcast_in_dim3A_73 : i32 to vector<16xi32>
      %select_n3A_75 = arith.select %gt3A_71, %broadcast_in_dim3A_74, %select_n3A_70 : vector<16xi1>, vector<16xi32>
      %gt3A_76 = arith.cmpf ogt, %gather3A_46, %select_n3A_72 : vector<16xf32>
      %select_n3A_77 = arith.select %gt3A_76, %gather3A_46, %select_n3A_72 : vector<16xi1>, vector<16xf32>
      %broadcast_in_dim3A_78 = arith.constant 7 : i32
      %broadcast_in_dim3A_79 = vector.broadcast %broadcast_in_dim3A_78 : i32 to vector<16xi32>
      %select_n3A_80 = arith.select %gt3A_76, %broadcast_in_dim3A_79, %select_n3A_75 : vector<16xi1>, vector<16xi32>
      %max3A = arith.constant 1.000000e+06 : f32
      %max3A_81 = vector.broadcast %max3A : f32 to vector<16xf32>
      %max3A_82 = arith.maximumf %select_n3A_77, %max3A_81 : vector<16xf32>
      %sub3A = arith.constant 1.000000e+06 : f32
      %sub3A_83 = vector.broadcast %sub3A : f32 to vector<16xf32>
      %sub3A_84 = arith.subf %sub3A_83, %max3A_82 : vector<16xf32>
      %exp3A = math.exp %sub3A_84 : vector<16xf32>
      %sub3A_85 = arith.subf %select_n3A_77, %max3A_82 : vector<16xf32>
      %exp3A_86 = math.exp %sub3A_85 : vector<16xf32>
      %mul3A_87 = arith.constant 7.000000e+00 : f32
      %mul3A_88 = vector.broadcast %mul3A_87 : f32 to vector<16xf32>
      %mul3A_89 = arith.mulf %mul3A_88, %exp3A : vector<16xf32>
      %add3A_90 = arith.addf %mul3A_89, %exp3A_86 : vector<16xf32>
      %div3A = arith.constant 1.000000e+00 : f32
      %div3A_91 = vector.broadcast %div3A : f32 to vector<16xf32>
      %div3A_92 = arith.divf %div3A_91, %add3A_90 : vector<16xf32>
      %mul3A_93 = arith.mulf %exp3A, %div3A_92 : vector<16xf32>
      %mul3A_94 = arith.mulf %exp3A_86, %div3A_92 : vector<16xf32>
      %eq3A = arith.constant 0 : i32
      %eq3A_95 = vector.broadcast %eq3A : i32 to vector<16xi32>
      %eq3A_96 = arith.cmpi eq, %select_n3A_80, %eq3A_95 : vector<16xi32>
      %select_n3A_97 = arith.select %eq3A_96, %mul3A_94, %mul3A_93 : vector<16xi1>, vector<16xf32>
      %add3A_98 = arith.constant 0 : i32
      %add3A_99 = vector.broadcast %add3A_98 : i32 to vector<16xi32>
      %add3A_100 = arith.addi %add3A_15, %add3A_99 : vector<16xi32>
      tpu.vector_store_idx %arg5[%add3A_100], %select_n3A_97 : memref<8192xf32, #tpu.memory_space<vmem>>[vector<16xi32>], vector<16xf32>,
      %eq3A_101 = arith.constant 1 : i32
      %eq3A_102 = vector.broadcast %eq3A_101 : i32 to vector<16xi32>
      %eq3A_103 = arith.cmpi eq, %select_n3A_80, %eq3A_102 : vector<16xi32>
      %select_n3A_104 = arith.select %eq3A_103, %mul3A_94, %mul3A_93 : vector<16xi1>, vector<16xf32>
      %add3A_105 = arith.constant 1 : i32
      %add3A_106 = vector.broadcast %add3A_105 : i32 to vector<16xi32>
      %add3A_107 = arith.addi %add3A_15, %add3A_106 : vector<16xi32>
      tpu.vector_store_idx %arg5[%add3A_107], %select_n3A_104 : memref<8192xf32, #tpu.memory_space<vmem>>[vector<16xi32>], vector<16xf32>,
      %eq3A_108 = arith.constant 2 : i32
      %eq3A_109 = vector.broadcast %eq3A_108 : i32 to vector<16xi32>
      %eq3A_110 = arith.cmpi eq, %select_n3A_80, %eq3A_109 : vector<16xi32>
      %select_n3A_111 = arith.select %eq3A_110, %mul3A_94, %mul3A_93 : vector<16xi1>, vector<16xf32>
      %add3A_112 = arith.constant 2 : i32
      %add3A_113 = vector.broadcast %add3A_112 : i32 to vector<16xi32>
      %add3A_114 = arith.addi %add3A_15, %add3A_113 : vector<16xi32>
      tpu.vector_store_idx %arg5[%add3A_114], %select_n3A_111 : memref<8192xf32, #tpu.memory_space<vmem>>[vector<16xi32>], vector<16xf32>,
      %eq3A_115 = arith.constant 3 : i32
      %eq3A_116 = vector.broadcast %eq3A_115 : i32 to vector<16xi32>
      %eq3A_117 = arith.cmpi eq, %select_n3A_80, %eq3A_116 : vector<16xi32>
      %select_n3A_118 = arith.select %eq3A_117, %mul3A_94, %mul3A_93 : vector<16xi1>, vector<16xf32>
      %add3A_119 = arith.constant 3 : i32
      %add3A_120 = vector.broadcast %add3A_119 : i32 to vector<16xi32>
      %add3A_121 = arith.addi %add3A_15, %add3A_120 : vector<16xi32>
      tpu.vector_store_idx %arg5[%add3A_121], %select_n3A_118 : memref<8192xf32, #tpu.memory_space<vmem>>[vector<16xi32>], vector<16xf32>,
      %eq3A_122 = arith.constant 4 : i32
      %eq3A_123 = vector.broadcast %eq3A_122 : i32 to vector<16xi32>
      %eq3A_124 = arith.cmpi eq, %select_n3A_80, %eq3A_123 : vector<16xi32>
      %select_n3A_125 = arith.select %eq3A_124, %mul3A_94, %mul3A_93 : vector<16xi1>, vector<16xf32>
      %add3A_126 = arith.constant 4 : i32
      %add3A_127 = vector.broadcast %add3A_126 : i32 to vector<16xi32>
      %add3A_128 = arith.addi %add3A_15, %add3A_127 : vector<16xi32>
      tpu.vector_store_idx %arg5[%add3A_128], %select_n3A_125 : memref<8192xf32, #tpu.memory_space<vmem>>[vector<16xi32>], vector<16xf32>,
      %eq3A_129 = arith.constant 5 : i32
      %eq3A_130 = vector.broadcast %eq3A_129 : i32 to vector<16xi32>
      %eq3A_131 = arith.cmpi eq, %select_n3A_80, %eq3A_130 : vector<16xi32>
      %select_n3A_132 = arith.select %eq3A_131, %mul3A_94, %mul3A_93 : vector<16xi1>, vector<16xf32>
      %add3A_133 = arith.constant 5 : i32
      %add3A_134 = vector.broadcast %add3A_133 : i32 to vector<16xi32>
      %add3A_135 = arith.addi %add3A_15, %add3A_134 : vector<16xi32>
      tpu.vector_store_idx %arg5[%add3A_135], %select_n3A_132 : memref<8192xf32, #tpu.memory_space<vmem>>[vector<16xi32>], vector<16xf32>,
      %eq3A_136 = arith.constant 6 : i32
      %eq3A_137 = vector.broadcast %eq3A_136 : i32 to vector<16xi32>
      %eq3A_138 = arith.cmpi eq, %select_n3A_80, %eq3A_137 : vector<16xi32>
      %select_n3A_139 = arith.select %eq3A_138, %mul3A_94, %mul3A_93 : vector<16xi1>, vector<16xf32>
      %add3A_140 = arith.constant 6 : i32
      %add3A_141 = vector.broadcast %add3A_140 : i32 to vector<16xi32>
      %add3A_142 = arith.addi %add3A_15, %add3A_141 : vector<16xi32>
      tpu.vector_store_idx %arg5[%add3A_142], %select_n3A_139 : memref<8192xf32, #tpu.memory_space<vmem>>[vector<16xi32>], vector<16xf32>,
      %eq3A_143 = arith.constant 7 : i32
      %eq3A_144 = vector.broadcast %eq3A_143 : i32 to vector<16xi32>
      %eq3A_145 = arith.cmpi eq, %select_n3A_80, %eq3A_144 : vector<16xi32>
      %select_n3A_146 = arith.select %eq3A_145, %mul3A_94, %mul3A_93 : vector<16xi1>, vector<16xf32>
      %add3A_147 = arith.constant 7 : i32
      %add3A_148 = vector.broadcast %add3A_147 : i32 to vector<16xi32>
      %add3A_149 = arith.addi %add3A_15, %add3A_148 : vector<16xi32>
      tpu.vector_store_idx %arg5[%add3A_149], %select_n3A_146 : memref<8192xf32, #tpu.memory_space<vmem>>[vector<16xi32>], vector<16xf32>,
    }
    %scan3A_7 = arith.constant 64 : i32
    "tpu.region"() ({
      %run_scoped3A = tpu.sem_alloc : memref<!tpu.dma_semaphore, #tpu.memory_space<semaphore_mem>>
      %dma_start3A = tpu.memref_slice %arg3[%mul3A_2] : memref<262144xf32, #tpu.memory_space<hbm>> -> memref<8192xf32, #tpu.memory_space<hbm>>
      %dma_start3A_8 = tpu.memref_slice %arg3[%mul3A_2] : memref<262144xf32, #tpu.memory_space<hbm>> -> memref<8192xf32, #tpu.memory_space<hbm>>
      tpu.enqueue_dma source(%arg5 : memref<8192xf32, #tpu.memory_space<vmem>>) target(%dma_start3A_8 : memref<8192xf32, #tpu.memory_space<hbm>>) target_semaphore(%run_scoped3A : memref<!tpu.dma_semaphore, #tpu.memory_space<semaphore_mem>>)
      %dma_wait3A = tpu.memref_slice %arg3[%mul3A_2] : memref<262144xf32, #tpu.memory_space<hbm>> -> memref<8192xf32, #tpu.memory_space<hbm>>
      %dma_wait3A_9 = tpu.memref_slice %arg3[%mul3A_2] : memref<262144xf32, #tpu.memory_space<hbm>> -> memref<8192xf32, #tpu.memory_space<hbm>>
      tpu.wait_dma2 semaphore(%run_scoped3A : memref<!tpu.dma_semaphore, #tpu.memory_space<semaphore_mem>>) src(%arg5 : memref<8192xf32, #tpu.memory_space<vmem>>) dst(%dma_wait3A_9 : memref<8192xf32, #tpu.memory_space<hbm>>)
      tpu.yield
    }) : () -> ()
    return
  }
}

module attributes {stable_mosaic.version = 14 : i64} {
  func.func @_tc_body(%arg0: i32, %arg1: memref<32768x768xf32, #tpu.memory_space<hbm>>, %arg2: memref<768x8xf32, #tpu.memory_space<vmem>>, %arg3: memref<256x8xf32, #tpu.memory_space<vmem>>, %arg4: memref<1x1xf32, #tpu.memory_space<vmem>>, %arg5: memref<1x8xf32, #tpu.memory_space<vmem>>, %arg6: memref<16x256x768xf32, #tpu.memory_space<vmem>>, %arg7: memref<16x!tpu.dma_semaphore, #tpu.memory_space<semaphore_mem>>) attributes {dimension_semantics = [#tpu.dimension_semantics<arbitrary>], iteration_bounds = array<i64: 128>, scalar_prefetch = 0 : i64, scratch_operands = 3 : i64, tpu.core_type = #tpu.core_type<tc>, window_params = [{}, {pipeline_mode = #tpu.pipeline_mode<synchronous>, transform_indices = @transform_1, window_bounds = array<i64: 768, 8>}, {transform_indices = @transform_2, window_bounds = array<i64: 256, 8>}, {pipeline_mode = #tpu.pipeline_mode<synchronous>, transform_indices = @transform_3, window_bounds = array<i64: 1, 1>}]} {
    %eq3A = arith.constant 0 : i32
    %eq3A_0 = arith.cmpi eq, %arg0, %eq3A : i32
    %convert_element_type3A = arith.extui %eq3A_0 : i1 to i32
    %cond3A = arith.constant 0 : i32
    %cond3A_1 = arith.cmpi ne, %convert_element_type3A, %cond3A : i32
    scf.if %cond3A_1 {
      %dma_start3A = arith.constant 0 : i32
      %dma_start3A_41 = arith.constant 0 : i32
      %dma_start3A_42 = tpu.memref_slice %arg7[%dma_start3A_41] : memref<16x!tpu.dma_semaphore, #tpu.memory_space<semaphore_mem>> -> memref<1x!tpu.dma_semaphore, #tpu.memory_space<semaphore_mem>>
      %dma_start3A_43 = tpu.memref_squeeze %dma_start3A_42 : memref<1x!tpu.dma_semaphore, #tpu.memory_space<semaphore_mem>> -> memref<!tpu.dma_semaphore, #tpu.memory_space<semaphore_mem>>
      %dma_start3A_44 = arith.constant 0 : i32
      %dma_start3A_45 = arith.constant 0 : i32
      %dma_start3A_46 = tpu.memref_slice %arg6[%dma_start3A, %dma_start3A_44, %dma_start3A_45] : memref<16x256x768xf32, #tpu.memory_space<vmem>> -> memref<1x256x768xf32, #tpu.memory_space<vmem>>
      %dma_start3A_47 = tpu.memref_squeeze %dma_start3A_46 : memref<1x256x768xf32, #tpu.memory_space<vmem>> -> memref<256x768xf32, #tpu.memory_space<vmem>>
      %dma_start3A_48 = arith.constant 0 : i32
      %dma_start3A_49 = arith.constant 0 : i32
      %dma_start3A_50 = tpu.memref_slice %arg1[%dma_start3A_48, %dma_start3A_49] : memref<32768x768xf32, #tpu.memory_space<hbm>> -> memref<256x768xf32, #tpu.memory_space<hbm>>
      tpu.enqueue_dma source(%dma_start3A_50 : memref<256x768xf32, #tpu.memory_space<hbm>>) target(%dma_start3A_47 : memref<256x768xf32, #tpu.memory_space<vmem>>) target_semaphore(%dma_start3A_43 : memref<!tpu.dma_semaphore, #tpu.memory_space<semaphore_mem>>)
      %dma_start3A_51 = arith.constant 1 : i32
      %dma_start3A_52 = arith.constant 1 : i32
      %dma_start3A_53 = tpu.memref_slice %arg7[%dma_start3A_52] : memref<16x!tpu.dma_semaphore, #tpu.memory_space<semaphore_mem>> -> memref<1x!tpu.dma_semaphore, #tpu.memory_space<semaphore_mem>>
      %dma_start3A_54 = tpu.memref_squeeze %dma_start3A_53 : memref<1x!tpu.dma_semaphore, #tpu.memory_space<semaphore_mem>> -> memref<!tpu.dma_semaphore, #tpu.memory_space<semaphore_mem>>
      %dma_start3A_55 = arith.constant 0 : i32
      %dma_start3A_56 = arith.constant 0 : i32
      %dma_start3A_57 = tpu.memref_slice %arg6[%dma_start3A_51, %dma_start3A_55, %dma_start3A_56] : memref<16x256x768xf32, #tpu.memory_space<vmem>> -> memref<1x256x768xf32, #tpu.memory_space<vmem>>
      %dma_start3A_58 = tpu.memref_squeeze %dma_start3A_57 : memref<1x256x768xf32, #tpu.memory_space<vmem>> -> memref<256x768xf32, #tpu.memory_space<vmem>>
      %dma_start3A_59 = arith.constant 256 : i32
      %dma_start3A_60 = arith.constant 0 : i32
      %dma_start3A_61 = tpu.memref_slice %arg1[%dma_start3A_59, %dma_start3A_60] : memref<32768x768xf32, #tpu.memory_space<hbm>> -> memref<256x768xf32, #tpu.memory_space<hbm>>
      tpu.enqueue_dma source(%dma_start3A_61 : memref<256x768xf32, #tpu.memory_space<hbm>>) target(%dma_start3A_58 : memref<256x768xf32, #tpu.memory_space<vmem>>) target_semaphore(%dma_start3A_54 : memref<!tpu.dma_semaphore, #tpu.memory_space<semaphore_mem>>)
      %dma_start3A_62 = arith.constant 2 : i32
      %dma_start3A_63 = arith.constant 2 : i32
      %dma_start3A_64 = tpu.memref_slice %arg7[%dma_start3A_63] : memref<16x!tpu.dma_semaphore, #tpu.memory_space<semaphore_mem>> -> memref<1x!tpu.dma_semaphore, #tpu.memory_space<semaphore_mem>>
      %dma_start3A_65 = tpu.memref_squeeze %dma_start3A_64 : memref<1x!tpu.dma_semaphore, #tpu.memory_space<semaphore_mem>> -> memref<!tpu.dma_semaphore, #tpu.memory_space<semaphore_mem>>
      %dma_start3A_66 = arith.constant 0 : i32
      %dma_start3A_67 = arith.constant 0 : i32
      %dma_start3A_68 = tpu.memref_slice %arg6[%dma_start3A_62, %dma_start3A_66, %dma_start3A_67] : memref<16x256x768xf32, #tpu.memory_space<vmem>> -> memref<1x256x768xf32, #tpu.memory_space<vmem>>
      %dma_start3A_69 = tpu.memref_squeeze %dma_start3A_68 : memref<1x256x768xf32, #tpu.memory_space<vmem>> -> memref<256x768xf32, #tpu.memory_space<vmem>>
      %dma_start3A_70 = arith.constant 512 : i32
      %dma_start3A_71 = arith.constant 0 : i32
      %dma_start3A_72 = tpu.memref_slice %arg1[%dma_start3A_70, %dma_start3A_71] : memref<32768x768xf32, #tpu.memory_space<hbm>> -> memref<256x768xf32, #tpu.memory_space<hbm>>
      tpu.enqueue_dma source(%dma_start3A_72 : memref<256x768xf32, #tpu.memory_space<hbm>>) target(%dma_start3A_69 : memref<256x768xf32, #tpu.memory_space<vmem>>) target_semaphore(%dma_start3A_65 : memref<!tpu.dma_semaphore, #tpu.memory_space<semaphore_mem>>)
      %dma_start3A_73 = arith.constant 3 : i32
      %dma_start3A_74 = arith.constant 3 : i32
      %dma_start3A_75 = tpu.memref_slice %arg7[%dma_start3A_74] : memref<16x!tpu.dma_semaphore, #tpu.memory_space<semaphore_mem>> -> memref<1x!tpu.dma_semaphore, #tpu.memory_space<semaphore_mem>>
      %dma_start3A_76 = tpu.memref_squeeze %dma_start3A_75 : memref<1x!tpu.dma_semaphore, #tpu.memory_space<semaphore_mem>> -> memref<!tpu.dma_semaphore, #tpu.memory_space<semaphore_mem>>
      %dma_start3A_77 = arith.constant 0 : i32
      %dma_start3A_78 = arith.constant 0 : i32
      %dma_start3A_79 = tpu.memref_slice %arg6[%dma_start3A_73, %dma_start3A_77, %dma_start3A_78] : memref<16x256x768xf32, #tpu.memory_space<vmem>> -> memref<1x256x768xf32, #tpu.memory_space<vmem>>
      %dma_start3A_80 = tpu.memref_squeeze %dma_start3A_79 : memref<1x256x768xf32, #tpu.memory_space<vmem>> -> memref<256x768xf32, #tpu.memory_space<vmem>>
      %dma_start3A_81 = arith.constant 768 : i32
      %dma_start3A_82 = arith.constant 0 : i32
      %dma_start3A_83 = tpu.memref_slice %arg1[%dma_start3A_81, %dma_start3A_82] : memref<32768x768xf32, #tpu.memory_space<hbm>> -> memref<256x768xf32, #tpu.memory_space<hbm>>
      tpu.enqueue_dma source(%dma_start3A_83 : memref<256x768xf32, #tpu.memory_space<hbm>>) target(%dma_start3A_80 : memref<256x768xf32, #tpu.memory_space<vmem>>) target_semaphore(%dma_start3A_76 : memref<!tpu.dma_semaphore, #tpu.memory_space<semaphore_mem>>)
      %dma_start3A_84 = arith.constant 4 : i32
      %dma_start3A_85 = arith.constant 4 : i32
      %dma_start3A_86 = tpu.memref_slice %arg7[%dma_start3A_85] : memref<16x!tpu.dma_semaphore, #tpu.memory_space<semaphore_mem>> -> memref<1x!tpu.dma_semaphore, #tpu.memory_space<semaphore_mem>>
      %dma_start3A_87 = tpu.memref_squeeze %dma_start3A_86 : memref<1x!tpu.dma_semaphore, #tpu.memory_space<semaphore_mem>> -> memref<!tpu.dma_semaphore, #tpu.memory_space<semaphore_mem>>
      %dma_start3A_88 = arith.constant 0 : i32
      %dma_start3A_89 = arith.constant 0 : i32
      %dma_start3A_90 = tpu.memref_slice %arg6[%dma_start3A_84, %dma_start3A_88, %dma_start3A_89] : memref<16x256x768xf32, #tpu.memory_space<vmem>> -> memref<1x256x768xf32, #tpu.memory_space<vmem>>
      %dma_start3A_91 = tpu.memref_squeeze %dma_start3A_90 : memref<1x256x768xf32, #tpu.memory_space<vmem>> -> memref<256x768xf32, #tpu.memory_space<vmem>>
      %dma_start3A_92 = arith.constant 1024 : i32
      %dma_start3A_93 = arith.constant 0 : i32
      %dma_start3A_94 = tpu.memref_slice %arg1[%dma_start3A_92, %dma_start3A_93] : memref<32768x768xf32, #tpu.memory_space<hbm>> -> memref<256x768xf32, #tpu.memory_space<hbm>>
      tpu.enqueue_dma source(%dma_start3A_94 : memref<256x768xf32, #tpu.memory_space<hbm>>) target(%dma_start3A_91 : memref<256x768xf32, #tpu.memory_space<vmem>>) target_semaphore(%dma_start3A_87 : memref<!tpu.dma_semaphore, #tpu.memory_space<semaphore_mem>>)
      %dma_start3A_95 = arith.constant 5 : i32
      %dma_start3A_96 = arith.constant 5 : i32
      %dma_start3A_97 = tpu.memref_slice %arg7[%dma_start3A_96] : memref<16x!tpu.dma_semaphore, #tpu.memory_space<semaphore_mem>> -> memref<1x!tpu.dma_semaphore, #tpu.memory_space<semaphore_mem>>
      %dma_start3A_98 = tpu.memref_squeeze %dma_start3A_97 : memref<1x!tpu.dma_semaphore, #tpu.memory_space<semaphore_mem>> -> memref<!tpu.dma_semaphore, #tpu.memory_space<semaphore_mem>>
      %dma_start3A_99 = arith.constant 0 : i32
      %dma_start3A_100 = arith.constant 0 : i32
      %dma_start3A_101 = tpu.memref_slice %arg6[%dma_start3A_95, %dma_start3A_99, %dma_start3A_100] : memref<16x256x768xf32, #tpu.memory_space<vmem>> -> memref<1x256x768xf32, #tpu.memory_space<vmem>>
      %dma_start3A_102 = tpu.memref_squeeze %dma_start3A_101 : memref<1x256x768xf32, #tpu.memory_space<vmem>> -> memref<256x768xf32, #tpu.memory_space<vmem>>
      %dma_start3A_103 = arith.constant 1280 : i32
      %dma_start3A_104 = arith.constant 0 : i32
      %dma_start3A_105 = tpu.memref_slice %arg1[%dma_start3A_103, %dma_start3A_104] : memref<32768x768xf32, #tpu.memory_space<hbm>> -> memref<256x768xf32, #tpu.memory_space<hbm>>
      tpu.enqueue_dma source(%dma_start3A_105 : memref<256x768xf32, #tpu.memory_space<hbm>>) target(%dma_start3A_102 : memref<256x768xf32, #tpu.memory_space<vmem>>) target_semaphore(%dma_start3A_98 : memref<!tpu.dma_semaphore, #tpu.memory_space<semaphore_mem>>)
      %dma_start3A_106 = arith.constant 6 : i32
      %dma_start3A_107 = arith.constant 6 : i32
      %dma_start3A_108 = tpu.memref_slice %arg7[%dma_start3A_107] : memref<16x!tpu.dma_semaphore, #tpu.memory_space<semaphore_mem>> -> memref<1x!tpu.dma_semaphore, #tpu.memory_space<semaphore_mem>>
      %dma_start3A_109 = tpu.memref_squeeze %dma_start3A_108 : memref<1x!tpu.dma_semaphore, #tpu.memory_space<semaphore_mem>> -> memref<!tpu.dma_semaphore, #tpu.memory_space<semaphore_mem>>
      %dma_start3A_110 = arith.constant 0 : i32
      %dma_start3A_111 = arith.constant 0 : i32
      %dma_start3A_112 = tpu.memref_slice %arg6[%dma_start3A_106, %dma_start3A_110, %dma_start3A_111] : memref<16x256x768xf32, #tpu.memory_space<vmem>> -> memref<1x256x768xf32, #tpu.memory_space<vmem>>
      %dma_start3A_113 = tpu.memref_squeeze %dma_start3A_112 : memref<1x256x768xf32, #tpu.memory_space<vmem>> -> memref<256x768xf32, #tpu.memory_space<vmem>>
      %dma_start3A_114 = arith.constant 1536 : i32
      %dma_start3A_115 = arith.constant 0 : i32
      %dma_start3A_116 = tpu.memref_slice %arg1[%dma_start3A_114, %dma_start3A_115] : memref<32768x768xf32, #tpu.memory_space<hbm>> -> memref<256x768xf32, #tpu.memory_space<hbm>>
      tpu.enqueue_dma source(%dma_start3A_116 : memref<256x768xf32, #tpu.memory_space<hbm>>) target(%dma_start3A_113 : memref<256x768xf32, #tpu.memory_space<vmem>>) target_semaphore(%dma_start3A_109 : memref<!tpu.dma_semaphore, #tpu.memory_space<semaphore_mem>>)
      %dma_start3A_117 = arith.constant 7 : i32
      %dma_start3A_118 = arith.constant 7 : i32
      %dma_start3A_119 = tpu.memref_slice %arg7[%dma_start3A_118] : memref<16x!tpu.dma_semaphore, #tpu.memory_space<semaphore_mem>> -> memref<1x!tpu.dma_semaphore, #tpu.memory_space<semaphore_mem>>
      %dma_start3A_120 = tpu.memref_squeeze %dma_start3A_119 : memref<1x!tpu.dma_semaphore, #tpu.memory_space<semaphore_mem>> -> memref<!tpu.dma_semaphore, #tpu.memory_space<semaphore_mem>>
      %dma_start3A_121 = arith.constant 0 : i32
      %dma_start3A_122 = arith.constant 0 : i32
      %dma_start3A_123 = tpu.memref_slice %arg6[%dma_start3A_117, %dma_start3A_121, %dma_start3A_122] : memref<16x256x768xf32, #tpu.memory_space<vmem>> -> memref<1x256x768xf32, #tpu.memory_space<vmem>>
      %dma_start3A_124 = tpu.memref_squeeze %dma_start3A_123 : memref<1x256x768xf32, #tpu.memory_space<vmem>> -> memref<256x768xf32, #tpu.memory_space<vmem>>
      %dma_start3A_125 = arith.constant 1792 : i32
      %dma_start3A_126 = arith.constant 0 : i32
      %dma_start3A_127 = tpu.memref_slice %arg1[%dma_start3A_125, %dma_start3A_126] : memref<32768x768xf32, #tpu.memory_space<hbm>> -> memref<256x768xf32, #tpu.memory_space<hbm>>
      tpu.enqueue_dma source(%dma_start3A_127 : memref<256x768xf32, #tpu.memory_space<hbm>>) target(%dma_start3A_124 : memref<256x768xf32, #tpu.memory_space<vmem>>) target_semaphore(%dma_start3A_120 : memref<!tpu.dma_semaphore, #tpu.memory_space<semaphore_mem>>)
      %dma_start3A_128 = arith.constant 8 : i32
      %dma_start3A_129 = arith.constant 8 : i32
      %dma_start3A_130 = tpu.memref_slice %arg7[%dma_start3A_129] : memref<16x!tpu.dma_semaphore, #tpu.memory_space<semaphore_mem>> -> memref<1x!tpu.dma_semaphore, #tpu.memory_space<semaphore_mem>>
      %dma_start3A_131 = tpu.memref_squeeze %dma_start3A_130 : memref<1x!tpu.dma_semaphore, #tpu.memory_space<semaphore_mem>> -> memref<!tpu.dma_semaphore, #tpu.memory_space<semaphore_mem>>
      %dma_start3A_132 = arith.constant 0 : i32
      %dma_start3A_133 = arith.constant 0 : i32
      %dma_start3A_134 = tpu.memref_slice %arg6[%dma_start3A_128, %dma_start3A_132, %dma_start3A_133] : memref<16x256x768xf32, #tpu.memory_space<vmem>> -> memref<1x256x768xf32, #tpu.memory_space<vmem>>
      %dma_start3A_135 = tpu.memref_squeeze %dma_start3A_134 : memref<1x256x768xf32, #tpu.memory_space<vmem>> -> memref<256x768xf32, #tpu.memory_space<vmem>>
      %dma_start3A_136 = arith.constant 2048 : i32
      %dma_start3A_137 = arith.constant 0 : i32
      %dma_start3A_138 = tpu.memref_slice %arg1[%dma_start3A_136, %dma_start3A_137] : memref<32768x768xf32, #tpu.memory_space<hbm>> -> memref<256x768xf32, #tpu.memory_space<hbm>>
      tpu.enqueue_dma source(%dma_start3A_138 : memref<256x768xf32, #tpu.memory_space<hbm>>) target(%dma_start3A_135 : memref<256x768xf32, #tpu.memory_space<vmem>>) target_semaphore(%dma_start3A_131 : memref<!tpu.dma_semaphore, #tpu.memory_space<semaphore_mem>>)
      %dma_start3A_139 = arith.constant 9 : i32
      %dma_start3A_140 = arith.constant 9 : i32
      %dma_start3A_141 = tpu.memref_slice %arg7[%dma_start3A_140] : memref<16x!tpu.dma_semaphore, #tpu.memory_space<semaphore_mem>> -> memref<1x!tpu.dma_semaphore, #tpu.memory_space<semaphore_mem>>
      %dma_start3A_142 = tpu.memref_squeeze %dma_start3A_141 : memref<1x!tpu.dma_semaphore, #tpu.memory_space<semaphore_mem>> -> memref<!tpu.dma_semaphore, #tpu.memory_space<semaphore_mem>>
      %dma_start3A_143 = arith.constant 0 : i32
      %dma_start3A_144 = arith.constant 0 : i32
      %dma_start3A_145 = tpu.memref_slice %arg6[%dma_start3A_139, %dma_start3A_143, %dma_start3A_144] : memref<16x256x768xf32, #tpu.memory_space<vmem>> -> memref<1x256x768xf32, #tpu.memory_space<vmem>>
      %dma_start3A_146 = tpu.memref_squeeze %dma_start3A_145 : memref<1x256x768xf32, #tpu.memory_space<vmem>> -> memref<256x768xf32, #tpu.memory_space<vmem>>
      %dma_start3A_147 = arith.constant 2304 : i32
      %dma_start3A_148 = arith.constant 0 : i32
      %dma_start3A_149 = tpu.memref_slice %arg1[%dma_start3A_147, %dma_start3A_148] : memref<32768x768xf32, #tpu.memory_space<hbm>> -> memref<256x768xf32, #tpu.memory_space<hbm>>
      tpu.enqueue_dma source(%dma_start3A_149 : memref<256x768xf32, #tpu.memory_space<hbm>>) target(%dma_start3A_146 : memref<256x768xf32, #tpu.memory_space<vmem>>) target_semaphore(%dma_start3A_142 : memref<!tpu.dma_semaphore, #tpu.memory_space<semaphore_mem>>)
      %dma_start3A_150 = arith.constant 10 : i32
      %dma_start3A_151 = arith.constant 10 : i32
      %dma_start3A_152 = tpu.memref_slice %arg7[%dma_start3A_151] : memref<16x!tpu.dma_semaphore, #tpu.memory_space<semaphore_mem>> -> memref<1x!tpu.dma_semaphore, #tpu.memory_space<semaphore_mem>>
      %dma_start3A_153 = tpu.memref_squeeze %dma_start3A_152 : memref<1x!tpu.dma_semaphore, #tpu.memory_space<semaphore_mem>> -> memref<!tpu.dma_semaphore, #tpu.memory_space<semaphore_mem>>
      %dma_start3A_154 = arith.constant 0 : i32
      %dma_start3A_155 = arith.constant 0 : i32
      %dma_start3A_156 = tpu.memref_slice %arg6[%dma_start3A_150, %dma_start3A_154, %dma_start3A_155] : memref<16x256x768xf32, #tpu.memory_space<vmem>> -> memref<1x256x768xf32, #tpu.memory_space<vmem>>
      %dma_start3A_157 = tpu.memref_squeeze %dma_start3A_156 : memref<1x256x768xf32, #tpu.memory_space<vmem>> -> memref<256x768xf32, #tpu.memory_space<vmem>>
      %dma_start3A_158 = arith.constant 2560 : i32
      %dma_start3A_159 = arith.constant 0 : i32
      %dma_start3A_160 = tpu.memref_slice %arg1[%dma_start3A_158, %dma_start3A_159] : memref<32768x768xf32, #tpu.memory_space<hbm>> -> memref<256x768xf32, #tpu.memory_space<hbm>>
      tpu.enqueue_dma source(%dma_start3A_160 : memref<256x768xf32, #tpu.memory_space<hbm>>) target(%dma_start3A_157 : memref<256x768xf32, #tpu.memory_space<vmem>>) target_semaphore(%dma_start3A_153 : memref<!tpu.dma_semaphore, #tpu.memory_space<semaphore_mem>>)
      %dma_start3A_161 = arith.constant 11 : i32
      %dma_start3A_162 = arith.constant 11 : i32
      %dma_start3A_163 = tpu.memref_slice %arg7[%dma_start3A_162] : memref<16x!tpu.dma_semaphore, #tpu.memory_space<semaphore_mem>> -> memref<1x!tpu.dma_semaphore, #tpu.memory_space<semaphore_mem>>
      %dma_start3A_164 = tpu.memref_squeeze %dma_start3A_163 : memref<1x!tpu.dma_semaphore, #tpu.memory_space<semaphore_mem>> -> memref<!tpu.dma_semaphore, #tpu.memory_space<semaphore_mem>>
      %dma_start3A_165 = arith.constant 0 : i32
      %dma_start3A_166 = arith.constant 0 : i32
      %dma_start3A_167 = tpu.memref_slice %arg6[%dma_start3A_161, %dma_start3A_165, %dma_start3A_166] : memref<16x256x768xf32, #tpu.memory_space<vmem>> -> memref<1x256x768xf32, #tpu.memory_space<vmem>>
      %dma_start3A_168 = tpu.memref_squeeze %dma_start3A_167 : memref<1x256x768xf32, #tpu.memory_space<vmem>> -> memref<256x768xf32, #tpu.memory_space<vmem>>
      %dma_start3A_169 = arith.constant 2816 : i32
      %dma_start3A_170 = arith.constant 0 : i32
      %dma_start3A_171 = tpu.memref_slice %arg1[%dma_start3A_169, %dma_start3A_170] : memref<32768x768xf32, #tpu.memory_space<hbm>> -> memref<256x768xf32, #tpu.memory_space<hbm>>
      tpu.enqueue_dma source(%dma_start3A_171 : memref<256x768xf32, #tpu.memory_space<hbm>>) target(%dma_start3A_168 : memref<256x768xf32, #tpu.memory_space<vmem>>) target_semaphore(%dma_start3A_164 : memref<!tpu.dma_semaphore, #tpu.memory_space<semaphore_mem>>)
      %dma_start3A_172 = arith.constant 12 : i32
      %dma_start3A_173 = arith.constant 12 : i32
      %dma_start3A_174 = tpu.memref_slice %arg7[%dma_start3A_173] : memref<16x!tpu.dma_semaphore, #tpu.memory_space<semaphore_mem>> -> memref<1x!tpu.dma_semaphore, #tpu.memory_space<semaphore_mem>>
      %dma_start3A_175 = tpu.memref_squeeze %dma_start3A_174 : memref<1x!tpu.dma_semaphore, #tpu.memory_space<semaphore_mem>> -> memref<!tpu.dma_semaphore, #tpu.memory_space<semaphore_mem>>
      %dma_start3A_176 = arith.constant 0 : i32
      %dma_start3A_177 = arith.constant 0 : i32
      %dma_start3A_178 = tpu.memref_slice %arg6[%dma_start3A_172, %dma_start3A_176, %dma_start3A_177] : memref<16x256x768xf32, #tpu.memory_space<vmem>> -> memref<1x256x768xf32, #tpu.memory_space<vmem>>
      %dma_start3A_179 = tpu.memref_squeeze %dma_start3A_178 : memref<1x256x768xf32, #tpu.memory_space<vmem>> -> memref<256x768xf32, #tpu.memory_space<vmem>>
      %dma_start3A_180 = arith.constant 3072 : i32
      %dma_start3A_181 = arith.constant 0 : i32
      %dma_start3A_182 = tpu.memref_slice %arg1[%dma_start3A_180, %dma_start3A_181] : memref<32768x768xf32, #tpu.memory_space<hbm>> -> memref<256x768xf32, #tpu.memory_space<hbm>>
      tpu.enqueue_dma source(%dma_start3A_182 : memref<256x768xf32, #tpu.memory_space<hbm>>) target(%dma_start3A_179 : memref<256x768xf32, #tpu.memory_space<vmem>>) target_semaphore(%dma_start3A_175 : memref<!tpu.dma_semaphore, #tpu.memory_space<semaphore_mem>>)
      %dma_start3A_183 = arith.constant 13 : i32
      %dma_start3A_184 = arith.constant 13 : i32
      %dma_start3A_185 = tpu.memref_slice %arg7[%dma_start3A_184] : memref<16x!tpu.dma_semaphore, #tpu.memory_space<semaphore_mem>> -> memref<1x!tpu.dma_semaphore, #tpu.memory_space<semaphore_mem>>
      %dma_start3A_186 = tpu.memref_squeeze %dma_start3A_185 : memref<1x!tpu.dma_semaphore, #tpu.memory_space<semaphore_mem>> -> memref<!tpu.dma_semaphore, #tpu.memory_space<semaphore_mem>>
      %dma_start3A_187 = arith.constant 0 : i32
      %dma_start3A_188 = arith.constant 0 : i32
      %dma_start3A_189 = tpu.memref_slice %arg6[%dma_start3A_183, %dma_start3A_187, %dma_start3A_188] : memref<16x256x768xf32, #tpu.memory_space<vmem>> -> memref<1x256x768xf32, #tpu.memory_space<vmem>>
      %dma_start3A_190 = tpu.memref_squeeze %dma_start3A_189 : memref<1x256x768xf32, #tpu.memory_space<vmem>> -> memref<256x768xf32, #tpu.memory_space<vmem>>
      %dma_start3A_191 = arith.constant 3328 : i32
      %dma_start3A_192 = arith.constant 0 : i32
      %dma_start3A_193 = tpu.memref_slice %arg1[%dma_start3A_191, %dma_start3A_192] : memref<32768x768xf32, #tpu.memory_space<hbm>> -> memref<256x768xf32, #tpu.memory_space<hbm>>
      tpu.enqueue_dma source(%dma_start3A_193 : memref<256x768xf32, #tpu.memory_space<hbm>>) target(%dma_start3A_190 : memref<256x768xf32, #tpu.memory_space<vmem>>) target_semaphore(%dma_start3A_186 : memref<!tpu.dma_semaphore, #tpu.memory_space<semaphore_mem>>)
      %dma_start3A_194 = arith.constant 14 : i32
      %dma_start3A_195 = arith.constant 14 : i32
      %dma_start3A_196 = tpu.memref_slice %arg7[%dma_start3A_195] : memref<16x!tpu.dma_semaphore, #tpu.memory_space<semaphore_mem>> -> memref<1x!tpu.dma_semaphore, #tpu.memory_space<semaphore_mem>>
      %dma_start3A_197 = tpu.memref_squeeze %dma_start3A_196 : memref<1x!tpu.dma_semaphore, #tpu.memory_space<semaphore_mem>> -> memref<!tpu.dma_semaphore, #tpu.memory_space<semaphore_mem>>
      %dma_start3A_198 = arith.constant 0 : i32
      %dma_start3A_199 = arith.constant 0 : i32
      %dma_start3A_200 = tpu.memref_slice %arg6[%dma_start3A_194, %dma_start3A_198, %dma_start3A_199] : memref<16x256x768xf32, #tpu.memory_space<vmem>> -> memref<1x256x768xf32, #tpu.memory_space<vmem>>
      %dma_start3A_201 = tpu.memref_squeeze %dma_start3A_200 : memref<1x256x768xf32, #tpu.memory_space<vmem>> -> memref<256x768xf32, #tpu.memory_space<vmem>>
      %dma_start3A_202 = arith.constant 3584 : i32
      %dma_start3A_203 = arith.constant 0 : i32
      %dma_start3A_204 = tpu.memref_slice %arg1[%dma_start3A_202, %dma_start3A_203] : memref<32768x768xf32, #tpu.memory_space<hbm>> -> memref<256x768xf32, #tpu.memory_space<hbm>>
      tpu.enqueue_dma source(%dma_start3A_204 : memref<256x768xf32, #tpu.memory_space<hbm>>) target(%dma_start3A_201 : memref<256x768xf32, #tpu.memory_space<vmem>>) target_semaphore(%dma_start3A_197 : memref<!tpu.dma_semaphore, #tpu.memory_space<semaphore_mem>>)
      %dma_start3A_205 = arith.constant 15 : i32
      %dma_start3A_206 = arith.constant 15 : i32
      %dma_start3A_207 = tpu.memref_slice %arg7[%dma_start3A_206] : memref<16x!tpu.dma_semaphore, #tpu.memory_space<semaphore_mem>> -> memref<1x!tpu.dma_semaphore, #tpu.memory_space<semaphore_mem>>
      %dma_start3A_208 = tpu.memref_squeeze %dma_start3A_207 : memref<1x!tpu.dma_semaphore, #tpu.memory_space<semaphore_mem>> -> memref<!tpu.dma_semaphore, #tpu.memory_space<semaphore_mem>>
      %dma_start3A_209 = arith.constant 0 : i32
      %dma_start3A_210 = arith.constant 0 : i32
      %dma_start3A_211 = tpu.memref_slice %arg6[%dma_start3A_205, %dma_start3A_209, %dma_start3A_210] : memref<16x256x768xf32, #tpu.memory_space<vmem>> -> memref<1x256x768xf32, #tpu.memory_space<vmem>>
      %dma_start3A_212 = tpu.memref_squeeze %dma_start3A_211 : memref<1x256x768xf32, #tpu.memory_space<vmem>> -> memref<256x768xf32, #tpu.memory_space<vmem>>
      %dma_start3A_213 = arith.constant 3840 : i32
      %dma_start3A_214 = arith.constant 0 : i32
      %dma_start3A_215 = tpu.memref_slice %arg1[%dma_start3A_213, %dma_start3A_214] : memref<32768x768xf32, #tpu.memory_space<hbm>> -> memref<256x768xf32, #tpu.memory_space<hbm>>
      tpu.enqueue_dma source(%dma_start3A_215 : memref<256x768xf32, #tpu.memory_space<hbm>>) target(%dma_start3A_212 : memref<256x768xf32, #tpu.memory_space<vmem>>) target_semaphore(%dma_start3A_208 : memref<!tpu.dma_semaphore, #tpu.memory_space<semaphore_mem>>)
    } else {
    }
    %rem3A = arith.constant 16 : i32
    %rem3A_2 = arith.remsi %arg0, %rem3A : i32
    %mul3A = arith.constant 256 : i32
    %mul3A_3 = arith.muli %arg0, %mul3A : i32
    %dma_wait3A = tpu.memref_slice %arg7[%rem3A_2] : memref<16x!tpu.dma_semaphore, #tpu.memory_space<semaphore_mem>> -> memref<1x!tpu.dma_semaphore, #tpu.memory_space<semaphore_mem>>
    %dma_wait3A_4 = tpu.memref_squeeze %dma_wait3A : memref<1x!tpu.dma_semaphore, #tpu.memory_space<semaphore_mem>> -> memref<!tpu.dma_semaphore, #tpu.memory_space<semaphore_mem>>
    %dma_wait3A_5 = arith.constant 0 : i32
    %dma_wait3A_6 = arith.constant 0 : i32
    %dma_wait3A_7 = tpu.memref_slice %arg6[%rem3A_2, %dma_wait3A_5, %dma_wait3A_6] : memref<16x256x768xf32, #tpu.memory_space<vmem>> -> memref<1x256x768xf32, #tpu.memory_space<vmem>>
    %dma_wait3A_8 = tpu.memref_squeeze %dma_wait3A_7 : memref<1x256x768xf32, #tpu.memory_space<vmem>> -> memref<256x768xf32, #tpu.memory_space<vmem>>
    %dma_wait3A_9 = arith.constant 0 : i32
    %dma_wait3A_10 = tpu.memref_slice %arg1[%mul3A_3, %dma_wait3A_9] : memref<32768x768xf32, #tpu.memory_space<hbm>> -> memref<256x768xf32, #tpu.memory_space<hbm>>
    tpu.wait_dma2 semaphore(%dma_wait3A_4 : memref<!tpu.dma_semaphore, #tpu.memory_space<semaphore_mem>>) src(%dma_wait3A_10 : memref<256x768xf32, #tpu.memory_space<hbm>>) dst(%dma_wait3A_8 : memref<256x768xf32, #tpu.memory_space<vmem>>)
    %get3A = arith.index_cast %rem3A_2 : i32 to index
    %get3A_11 = arith.constant 0 : index
    %get3A_12 = arith.constant 0 : index
    %get3A_13 = vector.load %arg6[%get3A, %get3A_11, %get3A_12] : memref<16x256x768xf32, #tpu.memory_space<vmem>>, vector<1x256x768xf32>
    %get3A_14 = vector.shape_cast %get3A_13 : vector<1x256x768xf32> to vector<256x768xf32>
    %get3A_15 = arith.constant 0 : index
    %get3A_16 = arith.constant 0 : index
    %get3A_17 = vector.load %arg2[%get3A_15, %get3A_16] : memref<768x8xf32, #tpu.memory_space<vmem>>, vector<768x8xf32>
    %dot_general3A = arith.constant dense<0.000000e+00> : vector<256x8xf32>
    %dot_general3A_18 = tpu.matmul %get3A_14, %get3A_17, %dot_general3A {dimension_numbers = #tpu.dot_dimension_numbers<[1], [0], [0], [1], [0, 0, 1, 1], [], []>, transpose_lhs_hint = false} : vector<256x768xf32>, vector<768x8xf32>, vector<256x8xf32> -> vector<256x8xf32>
    %swap3A = arith.constant 0 : index
    %swap3A_19 = arith.constant 0 : index
    %swap3A_20 = vector.load %arg3[%swap3A, %swap3A_19] : memref<256x8xf32, #tpu.memory_space<vmem>>, vector<256x8xf32>
    tpu.vector_store %arg3[%swap3A, %swap3A_19], %dot_general3A_18 {strides = array<i32>} : memref<256x8xf32, #tpu.memory_space<vmem>>, vector<256x8xf32>,
    %reduce_sum3A = arith.constant dense<0.000000e+00> : vector<8xf32>
    %reduce_sum3A_21 = vector.multi_reduction <add>, %dot_general3A_18, %reduce_sum3A [0] : vector<256x8xf32> to vector<8xf32>
    %broadcast_in_dim3A = vector.shape_cast %reduce_sum3A_21 : vector<8xf32> to vector<1x8xf32>
    %add3A = arith.constant 16 : i32
    %add3A_22 = arith.addi %arg0, %add3A : i32
    %lt3A = arith.constant 128 : i32
    %lt3A_23 = arith.cmpi slt, %add3A_22, %lt3A : i32
    %convert_element_type3A_24 = arith.extui %lt3A_23 : i1 to i32
    %cond3A_25 = arith.constant 0 : i32
    %cond3A_26 = arith.cmpi ne, %convert_element_type3A_24, %cond3A_25 : i32
    scf.if %cond3A_26 {
      %add3A_41 = arith.constant 16 : i32
      %add3A_42 = arith.addi %arg0, %add3A_41 : i32
      %mul3A_43 = arith.constant 256 : i32
      %mul3A_44 = arith.muli %add3A_42, %mul3A_43 : i32
      %dma_start3A = tpu.memref_slice %arg7[%rem3A_2] : memref<16x!tpu.dma_semaphore, #tpu.memory_space<semaphore_mem>> -> memref<1x!tpu.dma_semaphore, #tpu.memory_space<semaphore_mem>>
      %dma_start3A_45 = tpu.memref_squeeze %dma_start3A : memref<1x!tpu.dma_semaphore, #tpu.memory_space<semaphore_mem>> -> memref<!tpu.dma_semaphore, #tpu.memory_space<semaphore_mem>>
      %dma_start3A_46 = arith.constant 0 : i32
      %dma_start3A_47 = arith.constant 0 : i32
      %dma_start3A_48 = tpu.memref_slice %arg6[%rem3A_2, %dma_start3A_46, %dma_start3A_47] : memref<16x256x768xf32, #tpu.memory_space<vmem>> -> memref<1x256x768xf32, #tpu.memory_space<vmem>>
      %dma_start3A_49 = tpu.memref_squeeze %dma_start3A_48 : memref<1x256x768xf32, #tpu.memory_space<vmem>> -> memref<256x768xf32, #tpu.memory_space<vmem>>
      %dma_start3A_50 = arith.constant 0 : i32
      %dma_start3A_51 = tpu.memref_slice %arg1[%mul3A_44, %dma_start3A_50] : memref<32768x768xf32, #tpu.memory_space<hbm>> -> memref<256x768xf32, #tpu.memory_space<hbm>>
      tpu.enqueue_dma source(%dma_start3A_51 : memref<256x768xf32, #tpu.memory_space<hbm>>) target(%dma_start3A_49 : memref<256x768xf32, #tpu.memory_space<vmem>>) target_semaphore(%dma_start3A_45 : memref<!tpu.dma_semaphore, #tpu.memory_space<semaphore_mem>>)
    } else {
    }
    %eq3A_27 = arith.constant 0 : i32
    %eq3A_28 = arith.cmpi eq, %arg0, %eq3A_27 : i32
    %convert_element_type3A_29 = arith.extui %eq3A_28 : i1 to i32
    %cond3A_30 = arith.constant 0 : i32
    %cond3A_31 = arith.cmpi ne, %convert_element_type3A_29, %cond3A_30 : i32
    scf.if %cond3A_31 {
      %swap3A_41 = arith.constant 0 : index
      %swap3A_42 = arith.constant 0 : index
      %swap3A_43 = vector.load %arg5[%swap3A_41, %swap3A_42] : memref<1x8xf32, #tpu.memory_space<vmem>>, vector<1x8xf32>
      tpu.vector_store %arg5[%swap3A_41, %swap3A_42], %broadcast_in_dim3A {strides = array<i32>} : memref<1x8xf32, #tpu.memory_space<vmem>>, vector<1x8xf32>,
    } else {
    }
    %ne3A = arith.constant 0 : i32
    %ne3A_32 = arith.cmpi ne, %arg0, %ne3A : i32
    %convert_element_type3A_33 = arith.extui %ne3A_32 : i1 to i32
    %cond3A_34 = arith.constant 0 : i32
    %cond3A_35 = arith.cmpi ne, %convert_element_type3A_33, %cond3A_34 : i32
    scf.if %cond3A_35 {
      %get3A_41 = arith.constant 0 : index
      %get3A_42 = arith.constant 0 : index
      %get3A_43 = vector.load %arg5[%get3A_41, %get3A_42] : memref<1x8xf32, #tpu.memory_space<vmem>>, vector<1x8xf32>
      %add3A_44 = arith.addf %get3A_43, %broadcast_in_dim3A : vector<1x8xf32>
      %swap3A_45 = arith.constant 0 : index
      %swap3A_46 = arith.constant 0 : index
      %swap3A_47 = vector.load %arg5[%swap3A_45, %swap3A_46] : memref<1x8xf32, #tpu.memory_space<vmem>>, vector<1x8xf32>
      tpu.vector_store %arg5[%swap3A_45, %swap3A_46], %add3A_44 {strides = array<i32>} : memref<1x8xf32, #tpu.memory_space<vmem>>, vector<1x8xf32>,
    } else {
    }
    %eq3A_36 = arith.constant 127 : i32
    %eq3A_37 = arith.cmpi eq, %arg0, %eq3A_36 : i32
    %convert_element_type3A_38 = arith.extui %eq3A_37 : i1 to i32
    %cond3A_39 = arith.constant 0 : i32
    %cond3A_40 = arith.cmpi ne, %convert_element_type3A_38, %cond3A_39 : i32
    scf.if %cond3A_40 {
      %get3A_41 = arith.constant 0 : index
      %get3A_42 = arith.constant 0 : index
      %get3A_43 = vector.load %arg5[%get3A_41, %get3A_42] : memref<1x8xf32, #tpu.memory_space<vmem>>, vector<1x8xf32>
      %reduce_sum3A_44 = vector.shape_cast %get3A_43 : vector<1x8xf32> to vector<1x1x8xf32>
      %reduce_sum3A_45 = arith.constant dense<0.000000e+00> : vector<1xf32>
      %reduce_sum3A_46 = vector.multi_reduction <add>, %reduce_sum3A_44, %reduce_sum3A_45 [1, 2] : vector<1x1x8xf32> to vector<1xf32>
      %reduce_sum3A_47 = vector.shape_cast %reduce_sum3A_46 : vector<1xf32> to vector<1x1x1xf32>
      %reduce_sum3A_48 = vector.extract %reduce_sum3A_47[0, 0, 0] : f32 from vector<1x1x1xf32>
      %div3A = arith.constant 8.000000e+00 : f32
      %div3A_49 = arith.divf %reduce_sum3A_48, %div3A : f32
      %sub3A = vector.broadcast %div3A_49 : f32 to vector<1x8xf32>
      %sub3A_50 = arith.subf %get3A_43, %sub3A : vector<1x8xf32>
      %integer_pow3A = arith.mulf %sub3A_50, %sub3A_50 : vector<1x8xf32>
      %reduce_sum3A_51 = vector.shape_cast %integer_pow3A : vector<1x8xf32> to vector<1x1x8xf32>
      %reduce_sum3A_52 = arith.constant dense<0.000000e+00> : vector<1xf32>
      %reduce_sum3A_53 = vector.multi_reduction <add>, %reduce_sum3A_51, %reduce_sum3A_52 [1, 2] : vector<1x1x8xf32> to vector<1xf32>
      %reduce_sum3A_54 = vector.shape_cast %reduce_sum3A_53 : vector<1xf32> to vector<1x1x1xf32>
      %reduce_sum3A_55 = vector.extract %reduce_sum3A_54[0, 0, 0] : f32 from vector<1x1x1xf32>
      %mul3A_56 = arith.constant 0.142857149 : f32
      %mul3A_57 = arith.mulf %reduce_sum3A_55, %mul3A_56 : f32
      %mul3A_58 = arith.constant 1.000000e-01 : f32
      %mul3A_59 = arith.mulf %mul3A_58, %mul3A_57 : f32
      %mul3A_60 = arith.mulf %div3A_49, %div3A_49 : f32
      %div3A_61 = arith.divf %mul3A_59, %mul3A_60 : f32
      %reshape3A = vector.broadcast %div3A_61 : f32 to vector<1x1xf32>
      %swap3A_62 = arith.constant 0 : index
      %swap3A_63 = arith.constant 0 : index
      %swap3A_64 = vector.load %arg4[%swap3A_62, %swap3A_63] : memref<1x1xf32, #tpu.memory_space<vmem>>, vector<1x1xf32>
      tpu.vector_store %arg4[%swap3A_62, %swap3A_63], %reshape3A {strides = array<i32>} : memref<1x1xf32, #tpu.memory_space<vmem>>, vector<1x1xf32>,
    } else {
    }
    return
  }
  func.func @transform_1(%arg0: i32) -> (i32, i32) {
    %c0_i32 = arith.constant 0 : i32
    %c0_i32_0 = arith.constant 0 : i32
    %c0_i32_1 = arith.constant 0 : i32
    return %c0_i32, %c0_i32_0 : i32, i32
  }
  func.func @transform_2(%arg0: i32) -> (i32, i32) {
    %c0_i32 = arith.constant 0 : i32
    %c0_i32_0 = arith.constant 0 : i32
    return %arg0, %c0_i32 : i32, i32
  }
  func.func @transform_3(%arg0: i32) -> (i32, i32) {
    %c0_i32 = arith.constant 0 : i32
    %c0_i32_0 = arith.constant 0 : i32
    %c0_i32_1 = arith.constant 0 : i32
    return %c0_i32, %c0_i32_0 : i32, i32
  }
}

</mosaic_0001>

<sc_bundles>
// kernel: kernel.4.cloned.1.call-start
scs
__scs_entry_jumppad:
0x0: {  	(pc) =	sbr.rel $0x88, $3  }
0x1: {  	(tag) =	ssettag $0x0;
	lr =	simm.s32 $0x1  }
0x2: {  	[smem:$0x3F9F] =	sst lr;
	_ =	strace $0xD0000000  }
0x3: {  	_ = 	snop  }
0x4: {  	_ = 	snop  }
0x5: {  	_ = 	snop  }
0x6: {  	_ = 	snop  }
0x7: {  	_ = 	snop  }
__scs_overlays_trampoline_lowered:
0x8: {  	[smem:$0x3FAE] =	sst s0  }
0x9: {  	[smem:$0x3FAF] =	sst s1  }
0xa: {  	[smem:$0x3FB0] =	sst s2  }
0xb: {  	[smem:$0x3FB1] =	sst s3  }
0xc: {  	[smem:$0x3FB2] =	sst s4  }
0xd: {  	[smem:$0x3FB3] =	sst s5  }
0xe: {  	[smem:$0x3FB4] =	sst s6  }
0xf: {  	[smem:$0x3FB5] =	sst s7  }
0x10: {  	[smem:$0x3FB6] =	sst s8  }
0x11: {  	[smem:$0x3FB7] =	sst s9;
	s0 =	simm.s32 @!p0 $0x0  }
0x12: {  	s1 =	sld [smem:$0x3F9D];
	s0 =	simm.s32 @p0 $0x1  }
0x13: {  	[smem:$0x3FB8] =	sst s0;
	s0 =	simm.s32 @!p1 $0x0  }
0x14: {  	s2 =	sld [smem:$0x3F9C];
	s0 =	simm.s32 @p1 $0x1  }
0x15: {  	[smem:$0x3FB9] =	sst s0;
	s0 =	simm.s32 @!p2 $0x0  }
0x16: {  	s3 =	sld [smem:$0x3FDB];
	s0 =	simm.s32 @p2 $0x1  }
0x17: {  	s4 =	simm.s32 $0x1BF5;
	[smem:$0x3FBB] =	sst s0  }
0x18: {  	s0 =	sld [smem:$0x3F9E];
	_ =	swait.ge [sflag:s4], $0x0  }
0x19: {  	s7 =	sld [smem:$0x3F9F]  }
0x1a: {  	s8 =	sadd.s32 $0xFFFFE003, lr  }
0x1b: {  	s9 =	sadd.s32 $0xFFFFFEF7, lr;
	s5 =	simm.s32 $0xFFFFFFFF;
	p2 =	slt.u32 s8, $0xFFFFF086  }
0x1c: {  	p1 =	slt.u32 s9, $0xF7A;
	s5 =	simm.s32 @!p2 $0x0  }
0x1d: {  	s5 =	simm.s32 @p1 $0x1;
	p0 =	seq.s32 s7, s2  }
0x1e: {  	s7 =	smul.u32 @!p0 $0xF7A, s2;
	p2 =	seq.s32 @!p0 s5, $0x0  }
0x1f: {  	s9 =	smul.u32 $0xF7A, s1;
	s8 =	simm.s32 @!p0 $0x1BF5;
	p2 =	por !p2, p0  }
0x20: {  	[sflag:s8] =	ssyncset.s32 @!p0 $0xFFFFF086;
	s6 =	sadd.s32 @!p0 s3, s7;
	s7 =	simm.s32 @!p0 $0x108  }
0x21: {  	s3 =	sadd.s32 s3, s9;
	s6 =	sadd.s32 @!p0 $0x88, s6;
	s7 =	simm.s32 @p2 $0x1082  }
0x22: {  	[simem:s7], [sflag:s8] =	dma.local @!p0 [hbm:s6], $0xF7A  }
0x23: {  	s9 =	sor.u32 $0xD0000000, s2;
	s6 =	simm.s32 $0x108;
	_ =	swait.ge @!p0 [sflag:s8], $0x0  }
0x24: {  	s3 =	sadd.s32 $0x88, s3;
	s6 =	simm.s32 @!p1 $0x1082;
	[sflag:s4] =	ssyncset.s32 $0xFFFFF086  }
0x25: {  	[simem:s6], [sflag:s4] =	dma.local [hbm:s3], $0xF7A  }
0x26: {  	[smem:$0x3F9F] =	sst s1;
	(tag) =	ssettag s2;
	_ =	strace s9  }
0x27: {  	s1 =	sld [smem:$0x3FAF]  }
0x28: {  	s2 =	sld [smem:$0x3FB0]  }
0x29: {  	s4 =	sld [smem:$0x3FB2]  }
0x2a: {  	p0 =	seq.s32 s5, $0x0;
	s5 =	sld [smem:$0x3FB3]  }
0x2b: {  	s6 =	sld [smem:$0x3FB4]  }
0x2c: {  	s7 =	sld [smem:$0x3FB5]  }
0x2d: {  	s3 =	simm.s32 $0x108;
	s8 =	sld [smem:$0x3FB6]  }
0x2e: {  	s3 =	simm.s32 @!p0 $0x1082;
	s9 =	sld [smem:$0x3FB7]  }
0x2f: {  	lr =	sadd.s32 s0, s3;
	s0 =	sld [smem:$0x3FAE]  }
0x30: {  	s3 =	sld [smem:$0x3FB1]  }
0x31: {  	[smem:$0x3FBA] =	sst s10  }
0x32: {  	s10 =	sld [smem:$0x3FB8];
	_ =	sdelay $0x3  }
0x33: {  	p0 =	seq.s32 s10, $0x1;
	s10 =	sld [smem:$0x3FBA];
	_ =	sdelay $0x3  }
0x34: {  	[smem:$0x3FBA] =	sst s10  }
0x35: {  	s10 =	sld [smem:$0x3FB9];
	_ =	sdelay $0x3  }
0x36: {  	p1 =	seq.s32 s10, $0x1;
	s10 =	sld [smem:$0x3FBA];
	_ =	sdelay $0x3  }
0x37: {  	[smem:$0x3FBA] =	sst s10  }
0x38: {  	s10 =	sld [smem:$0x3FBB]  }
0x39: {  	_ = 	snop;
	(pc) =	sbr.ind lr, $3  }
0x3a: {  	_ = 	snop  }
0x3b: {  	_ = 	snop  }
0x3c: {  	p2 =	seq.s32 s10, $0x1;
	s10 =	sld [smem:$0x3FBA]  }
0x3d: {  	_ =	shalt  }
0x3e: {  	_ =	shalt  }
0x3f: {  	_ =	shalt  }
0x40: {  	_ =	shalt  }
0x41: {  	_ =	shalt  }
0x42: {  	_ =	shalt  }
0x43: {  	_ =	shalt  }
0x44: {  	_ =	shalt  }
0x45: {  	_ =	shalt  }
0x46: {  	_ =	shalt  }
0x47: {  	_ =	shalt  }
0x48: {  	_ =	shalt  }
0x49: {  	_ =	shalt  }
0x4a: {  	_ =	shalt  }
0x4b: {  	_ =	shalt  }
0x4c: {  	_ =	shalt  }
0x4d: {  	_ =	shalt  }
0x4e: {  	_ =	shalt  }
0x4f: {  	_ =	shalt  }
0x50: {  	_ =	shalt  }
0x51: {  	_ =	shalt  }
0x52: {  	_ =	shalt  }
0x53: {  	_ =	shalt  }
0x54: {  	_ =	shalt  }
0x55: {  	_ =	shalt  }
0x56: {  	_ =	shalt  }
0x57: {  	_ =	shalt  }
0x58: {  	_ =	shalt  }
0x59: {  	_ =	shalt  }
0x5a: {  	_ =	shalt  }
0x5b: {  	_ =	shalt  }
0x5c: {  	_ =	shalt  }
0x5d: {  	_ =	shalt  }
0x5e: {  	_ =	shalt  }
0x5f: {  	_ =	shalt  }
0x60: {  	_ =	shalt  }
0x61: {  	_ =	shalt  }
0x62: {  	_ =	shalt  }
0x63: {  	_ =	shalt  }
0x64: {  	_ =	shalt  }
0x65: {  	_ =	shalt  }
0x66: {  	_ =	shalt  }
0x67: {  	_ =	shalt  }
0x68: {  	_ =	shalt  }
0x69: {  	_ =	shalt  }
0x6a: {  	_ =	shalt  }
0x6b: {  	_ =	shalt  }
0x6c: {  	_ =	shalt  }
0x6d: {  	_ =	shalt  }
0x6e: {  	_ =	shalt  }
0x6f: {  	_ =	shalt  }
0x70: {  	_ =	shalt  }
0x71: {  	_ =	shalt  }
0x72: {  	_ =	shalt  }
0x73: {  	_ =	shalt  }
0x74: {  	_ =	shalt  }
0x75: {  	_ =	shalt  }
0x76: {  	_ =	shalt  }
0x77: {  	_ =	shalt  }
0x78: {  	_ =	shalt  }
0x79: {  	_ =	shalt  }
0x7a: {  	_ =	shalt  }
0x7b: {  	_ =	shalt  }
0x7c: {  	_ =	shalt  }
0x7d: {  	_ =	shalt  }
0x7e: {  	_ =	shalt  }
0x7f: {  	_ =	shalt  }
0x80: {  	_ =	shalt  }
0x81: {  	_ =	shalt  }
0x82: {  	_ =	shalt  }
0x83: {  	_ =	shalt  }
0x84: {  	_ =	shalt  }
0x85: {  	_ =	shalt  }
0x86: {  	_ =	shalt  }
0x87: {  	_ =	shalt  }
.Lfunc_end0:
.L_simem_size_0:
called_computation_lowered:
.L_overlay_start_0:
0x88: {  	s2 =	sld [smem:$0x3FD9]  }
0x89: {  	s3 =	sld [smem:$0x3FFE];
	_ =	sdelay $0x1  }
0x8a: {  	s1 =	srdreg.scid  }
0x8b: {  	s0 =	sand.u32 $0x1, s1  }
0x8c: {  	s14 =	sshll.u32 s0, $0xA;
	s2 =	sadd.s32 s3, s2  }
0x8d: {  	s2 =	sadd.s32 s2, s14  }
0x8e: {  	[smem:$0x3FC6] =	sst s2  }
0x8f: {  	_ = 	snop  }
0x90: {  	s2 =	sld [smem:$0x3FD0];
	_ =	sdelay $0x2  }
0x91: {  	s15 =	simm.s32 $0xA;
	s4 =	simm.s32 $0x10  }
0x92: {  	[smem:s4], [sflag:s15] =	dma.local [hbm:s2], $0x1  }
0x93: {  	_ =	swait.eq [sflag:s15], $0x1  }
0x94: {  	[sflag:s15] =	ssyncset.done $0x0  }
0x95: {  	[sflag:s15] =	ssyncadd.s32 $0xFFFFFFFF  }
0x96: {  	s16 =	sld [smem:$0x10];
	(tm) =	ssettm $0x1  }
0x97: {  	s17 =	sld [smem:$0x3FFB];
	_ =	sdelay $0x3  }
0x98: {  	_ =	strace s17  }
0x99: {  	s3 =	sld [smem:$0x3FFC];
	_ =	sdelay $0x3  }
0x9a: {  	_ =	strace s3  }
0x9b: {  	s3 =	sld [smem:$0x3FFD];
	_ =	sdelay $0x3  }
0x9c: {  	_ =	strace s3  }
0x9d: {  	_ =	strace $0x8FFFFFFF  }
0x9e: {  	s18 =	sld [smem:$0x3FDB];
	_ =	sdelay $0x1  }
0x9f: {  	s19 =	simm.s32 $_scs_section_size  }
0xa0: {  	s5 =	simm.s32 $_size__tile_overlayer_lowered;
	s6 =	simm.s32 $_tile_overlayer_lowered  }
0xa1: {  	s22 =	simm.s32 $0x1BFF;
	s21 =	sshll.u32 s6, $0x1;
	s3 =	sadd.s32 s19, s18  }
0xa2: {  	s7 =	simm.s32 $0x0;
	s20 =	sshll.u32 s5, $0x1;
	s5 =	sadd.s32 s21, s3  }
0xa3: {  	[timem:s7], [sflag:s22] =	dma.local [hbm:s5], s20  }
0xa4: {  	_ =	swait.ge [sflag:s22], s20  }
0xa5: {  	s4 =	ssub.s32 $0x0, s20;
	[sflag:s22] =	ssyncset.done $0x0  }
0xa6: {  	[sflag:s22] =	ssyncadd.s32 s4;
	_ =	sdelay $0x1  }
0xa7: {  	s23 =	simm.s32 $0x1B8B  }
0xa8: {  	_ =	swait.ge [sflag:s23], $0x1  }
0xa9: {  	[sflag:s23] =	ssyncset.done $0x0  }
0xaa: {  	s25 =	simm.s32 $0x1B8E;
	s24 =	sld [smem:$0x3FFE];
	[sflag:s23] =	ssyncadd.s32 $0xFFFFFFFF  }
0xab: {  	s26 =	simm.s32 $execute0_lowered;
	[smem:$0x3FD2] =	sst s25  }
0xac: {  	s5 =	sshll.u32 s26, $0x1;
	_ =	strace $0x80000046;
	[dreg:$0x1] =	wrdreg $0xFFFFFFFF  }
0xad: {  	s28 =	simm.s32 $_size_execute0_lowered;
	s3 =	sadd.s32 s3, s5;
	[dreg:$0x0] =	wrdreg $0x0  }
0xae: {  	s5 =	sshll.u32 s28, $0x1;
	[dreg:$0x2] =	wrdreg s3  }
0xaf: {  	[dreg:$0x3] =	wrdreg s5  }
0xb0: {  	[dreg:$0x4] =	wrdreg $0xC0  }
0xb1: {  	_ =	task [dreg:s7], $0x5FFFF  }
0xb2: {  	[dreg:$0x1] =	wrdreg $0xFFFFFFFF  }
0xb3: {  	[dreg:$0x0] =	wrdreg $0x60  }
0xb4: {  	[dreg:$0x2] =	wrdreg s16  }
0xb5: {  	[dreg:$0x3] =	wrdreg s24  }
0xb6: {  	[dreg:$0x4] =	wrdreg $0x9  }
0xb7: {  	_ =	task.clear_ibuf [dreg:s7], $0x5FFFF;
	_ =	strace $0x90000046  }
0xb8: {  	s29 =	simm.s32 $0x9;
	_ =	strace $0x80000048  }
0xb9: {  	_ =	swait.ge [sflag:s29], $0x1  }
0xba: {  	[sflag:s29] =	ssyncadd.s32 $0xFFFFFFFF  }
0xbb: {  	_ =	strace $0x90000048  }
0xbc: {  	_ =	sfence  }
0xbd: {  	s30 =	sld [smem:$0x0];
	_ =	sdelay $0x2  }
0xbe: {  	s31 =	sshll.u32 s1, $0xD;
	s1 =	sshrl.u32 s1, $0x2  }
0xbf: {  	s3 =	sand.u32 $0x4000, s31;
	s1 =	sadd.s32 s1, s30  }
0xc0: {  	s0 =	sor.u32 s3, s0;
	s1 =	sshll.u32 s1, $0x11  }
0xc1: {  	s0 =	sor.u32 s1, s0  }
0xc2: {  	s0 =	sadd.s32 $0x8F2B, s0  }
0xc3: {  	[sflag:s0] =	ssyncadd.remote.s32 $0x1  }
0xc4: {  	_ =	sfence.sel $0xFFFF  }
0xc5: {  	[dreg:$0x0] =	wrdreg $0xFFFFFFFF;
	(pc) =	sbr.abs _section_cstart, $3  }
0xc6: {  	[dreg:$0x1] =	wrdreg $0xFFFFFFFF  }
0xc7: {  	_ =	task.clear_ibuf [dreg:s7], $0x2FFFF;
	_ =	strace $0x9FFFFFFF  }
0xc8: {  	(tm) =	ssettm $0x7FFFFFFF  }
0xc9: {  	_ =	shalt  }
tec
execute0_lowered:
.L_overlay_start_1:
0x0: {  	(tag) =	ssettag $0x1  }
0x1: {  	s3 =	rddreg [dreg:$0x0]  }
0x2: {  	s4 =	rddreg [dreg:$0x1]  }
0x3: {  	s0 =	rddreg [dreg:$0x2];
	s5 =	srdreg.scid  }
0x4: {  	s2 =	simm.s32 $0x0;
	s1 =	stileid.u32;
	v0 =	vlaneseq.u32;
	s8 =	simm.s32 $0x0  }
0x5: {  	s5 =	sand.u32 $0x1, s5;
	s7 =	sshll.u32 s1, $0xA;
	v0 =	vmul.u32 $0x8, v0;
	[smem:$0x7FF] =	sst s2  }
0x6: {  	s6 =	sshll.u32 s5, $0xE;
	s5 =	ssub.s32 $0x2, s5;
	_ =	strace $0x80000047  }
0x7: {  	v8 =	vimm.s32 $0x0;
	s6 =	sor.u32 s7, s6;
	s31 =	sshrl.u32 s5, $0x1;
	v1 =	vor.u32 $0x1, v0;
	s7 =	simm.s32 $0x2000  }
0x8: {  	v2 =	vor.u32 $0x2, v0;
	v3 =	vor.u32 $0x3, v0;
	v4 =	vor.u32 $0x4, v0;
	s4 =	sadd.s32 s6, s4;
	s5 =	ssub.s32 s5, s31;
	s3 =	sadd.s32 s3, s6  }
0x9: {  	v5 =	vor.u32 $0x5, v0;
	v6 =	vor.u32 $0x6, v0;
	v7 =	vor.u32 $0x7, v0;
	s6 =	simm.s32 $0x1;
	s4 =	sadd.s32 $0x600, s4;
	s5 =	smax.u32 s5, $0x1  }
.LBB2_1:
0xa: {  	v9 =	vor.u32 s2, v0  }
0xb: {  	[tilespmem:s2], [sflag:$0x1] =	stream.linear.gather [hbm4b:s3+s2], $0x2000, $0x38;
	v10 =	vor.u32 s2, v1;
	[tilespmem:$0x4000] =	vst v63  }
0xc: {  	_ =	swait.ge [sflag:s6], $0x2000  }
0xd: {  	v11 =	vor.u32 s2, v2;
	[sflag:s6] =	ssyncset.done $0x0  }
0xe: {  	[sflag:s6] =	ssyncadd.s32 $0xFFFFE000  }
0xf: {  	v13 =	vor.u32 s2, v3;
	v12 =	vld.idx.msk [tilespmem:v9+s2+$0x0], $0xffff  }
0x10: {  	v14 =	vld.idx.msk [tilespmem:v10+s2+$0x0], $0xffff  }
0x11: {  	v15 =	vor.u32 s2, v4  }
0x12: {  	v16 =	vld.idx.msk [tilespmem:v11+s2+$0x0], $0xffff  }
0x13: {  	v17 =	vor.u32 s2, v5  }
0x14: {  	v18 =	vld.idx.msk [tilespmem:v13+s2+$0x0], $0xffff  }
0x15: {  	v19 =	vor.u32 s2, v6;
	vm2 =	vgt.f32 v14, v12  }
0x16: {  	v20 =	vld.idx.msk [tilespmem:v15+s2+$0x0], $0xffff;
	v14 =	vsel vm2, v14, v12  }
0x17: {  	v12 =	vor.u32 s2, v7;
	vm3 =	vgt.f32 v16, v14  }
0x18: {  	v21 =	vld.idx.msk [tilespmem:v17+s2+$0x0], $0xffff;
	v14 =	vsel vm3, v16, v14  }
0x19: {  	vm4 =	vgt.f32 v18, v14  }
0x1a: {  	v54 =	vld.idx.msk [tilespmem:v19+s2+$0x0], $0xffff;
	v14 =	vsel vm4, v18, v14  }
0x1b: {  	vm5 =	vgt.f32 v20, v14  }
0x1c: {  	v55 =	vld.idx.msk [tilespmem:v12+s2+$0x0], $0xffff;
	v14 =	vsel vm5, v20, v14  }
0x1d: {  	vm6 =	vgt.f32 v21, v14  }
0x1e: {  	v14 =	vsel vm6, v21, v14  }
0x1f: {  	vm1 =	vgt.f32 v54, v14  }
0x20: {  	v14 =	vsel vm1, v54, v14  }
0x21: {  	vm0 =	vgt.f32 v55, v14  }
0x22: {  	vm0 =	vmneg vm0  }
0x23: {  	v14 =	vsel vm0, v14, v55  }
0x24: {  	v56 =	vmax.f32 v14, $1.000000000e+06  }
0x25: {  	v57 =	vsub.f32 $1.000000000e+06, v56;
	_ =	sdelay $0x1  }
0x26: {  	v14 =	vsub.f32 v14, v56;
	v58 =	vmul.f32 $1.442695020e+00, v57;
	_ =	sdelay $0x1  }
0x27: {  	v14 =	vmul.f32 $1.442695020e+00, v14;
	(erf) = vpow2.f32 v58;
	_ =	sdelay $0x1  }
0x28: {  	(erf) = vpow2.f32 v14;
	_ =	sdelay $0x6  }
0x29: {  	v14 =	vpop (erf)  }
0x2a: {  	v59 =	vmul.f32 $7.000000000e+00, v14  }
0x2b: {  	v60 =	vpop (erf)  }
0x2c: {  	v16 =	vadd.f32 v59, v60;
	_ =	sdelay $0x1  }
0x2d: {  	(erf) = vrcp.f32 v16;
	_ =	sdelay $0x3  }
0x2e: {  	v61 =	vsel vm2, $0x1, v8  }
0x2f: {  	v16 =	vsel vm3, $0x2, v61  }
0x30: {  	v16 =	vsel vm4, $0x3, v16  }
0x31: {  	v16 =	vsel vm5, $0x4, v16  }
0x32: {  	v16 =	vsel vm6, $0x5, v16  }
0x33: {  	v16 =	vsel vm1, $0x6, v16;
	v62 =	vpop (erf)  }
0x34: {  	v16 =	vnsel vm0, $0x7, v16;
	v14 =	vmul.f32 v62, v14;
	v18 =	vmul.f32 v62, v60  }
0x35: {  	vm10 =	veq.s32 v16, $0x0  }
0x36: {  	vm11 =	veq.s32 v16, $0x1;
	v20 =	vsel vm10, v18, v14  }
0x37: {  	vm12 =	veq.s32 v16, $0x2;
	v63 =	vsel vm11, v18, v14;
	[tilespmem:v9+s7+$0x0] =	vst.idx.msk $0xffff, v20  }
0x38: {  	vm13 =	veq.s32 v16, $0x3;
	v9 =	vsel vm12, v18, v14;
	[tilespmem:v10+s7+$0x0] =	vst.idx.msk $0xffff, v63  }
0x39: {  	vm14 =	veq.s32 v16, $0x4;
	v10 =	vsel vm13, v18, v14;
	[tilespmem:v11+s7+$0x0] =	vst.idx.msk $0xffff, v9  }
0x3a: {  	s9 =	simm.s32 $0x80;
	vm15 =	veq.s32 v16, $0x5;
	v9 =	vsel vm14, v18, v14;
	[tilespmem:v13+s7+$0x0] =	vst.idx.msk $0xffff, v10  }
0x3b: {  	v10 =	vsel vm15, v18, v14;
	[tilespmem:v15+s7+$0x0] =	vst.idx.msk $0xffff, v9;
	v9 =	vor.u32 s9, v0  }
0x3c: {  	vm1 =	vmand vm1, vm0;
	[tilespmem:v17+s7+$0x0] =	vst.idx.msk $0xffff, v10;
	v10 =	vor.u32 s9, v1  }
0x3d: {  	v13 =	vsel vm1, v18, v14  }
0x3e: {  	s10 =	simm.s32 $0x100;
	v11 =	vor.u32 s9, v2;
	[tilespmem:v19+s7+$0x0] =	vst.idx.msk $0xffff, v13;
	v13 =	vsel vm0, v14, v18  }
.LBB2_2:
0x3f: {  	p0 =	sne.s32 s10, $0x1F80;
	[tilespmem:v12+s7+$0x0] =	vst.idx.msk $0xffff, v13;
	s11 =	smov.u32 s10;
	s10 =	sadd.s32 $0x80, s10  }
0x40: {  	v14 =	vor.u32 s9, v3;
	v13 =	vld.idx.msk [tilespmem:v9+s2+$0x0], $0xffff  }
0x41: {  	v15 =	vld.idx.msk [tilespmem:v10+s2+$0x0], $0xffff  }
0x42: {  	v16 =	vor.u32 s9, v4  }
0x43: {  	v17 =	vld.idx.msk [tilespmem:v11+s2+$0x0], $0xffff  }
0x44: {  	v18 =	vor.u32 s9, v5  }
0x45: {  	v19 =	vld.idx.msk [tilespmem:v14+s2+$0x0], $0xffff  }
0x46: {  	v20 =	vor.u32 s9, v6  }
0x47: {  	vm0 =	vgt.f32 v15, v13;
	v21 =	vld.idx.msk [tilespmem:v16+s2+$0x0], $0xffff  }
0x48: {  	v12 =	vor.u32 s9, v7;
	s9 =	smov.u32 s11;
	v13 =	vsel vm0, v15, v13  }
0x49: {  	v22 =	vsel vm0, $0x1, v8;
	vm0 =	vgt.f32 v17, v13;
	v15 =	vld.idx.msk [tilespmem:v18+s2+$0x0], $0xffff  }
0x4a: {  	v13 =	vsel vm0, v17, v13;
	v17 =	vsel vm0, $0x2, v22  }
0x4b: {  	vm0 =	vgt.f32 v19, v13;
	v22 =	vld.idx.msk [tilespmem:v20+s2+$0x0], $0xffff  }
0x4c: {  	v13 =	vsel vm0, v19, v13;
	v17 =	vsel vm0, $0x3, v17  }
0x4d: {  	vm0 =	vgt.f32 v21, v13;
	v19 =	vld.idx.msk [tilespmem:v12+s2+$0x0], $0xffff  }
0x4e: {  	v13 =	vsel vm0, v21, v13  }
0x4f: {  	v17 =	vsel vm0, $0x4, v17;
	vm0 =	vgt.f32 v15, v13  }
0x50: {  	v13 =	vsel vm0, v15, v13;
	v15 =	vsel vm0, $0x5, v17  }
0x51: {  	vm1 =	vgt.f32 v22, v13  }
0x52: {  	v13 =	vsel vm1, v22, v13;
	v15 =	vsel vm1, $0x6, v15  }
0x53: {  	vm0 =	vgt.f32 v19, v13  }
0x54: {  	vm0 =	vmneg vm0  }
0x55: {  	v13 =	vsel vm0, v13, v19;
	v15 =	vnsel vm0, $0x7, v15;
	vm1 =	vmand vm1, vm0  }
0x56: {  	v17 =	vmax.f32 v13, $1.000000000e+06;
	vm2 =	veq.s32 v15, $0x0  }
0x57: {  	v19 =	vsub.f32 $1.000000000e+06, v17;
	v13 =	vsub.f32 v13, v17;
	_ =	sdelay $0x1  }
0x58: {  	v17 =	vmul.f32 $1.442695020e+00, v19;
	v13 =	vmul.f32 $1.442695020e+00, v13;
	_ =	sdelay $0x1  }
0x59: {  	(erf) = vpow2.f32 v17;
	_ =	sdelay $0x1  }
0x5a: {  	(erf) = vpow2.f32 v13;
	_ =	sdelay $0x6  }
0x5b: {  	v13 =	vpop (erf)  }
0x5c: {  	v17 =	vmul.f32 $7.000000000e+00, v13  }
0x5d: {  	v19 =	vpop (erf)  }
0x5e: {  	v17 =	vadd.f32 v17, v19;
	_ =	sdelay $0x1  }
0x5f: {  	(erf) = vrcp.f32 v17;
	_ =	sdelay $0x8  }
0x60: {  	v17 =	vpop (erf)  }
0x61: {  	v13 =	vmul.f32 v17, v13;
	v17 =	vmul.f32 v17, v19  }
0x62: {  	vm3 =	veq.s32 v15, $0x1;
	vm4 =	veq.s32 v15, $0x2;
	vm5 =	veq.s32 v15, $0x3  }
0x63: {  	v19 =	vsel vm2, v17, v13;
	v21 =	vsel vm3, v17, v13;
	v22 =	vsel vm4, v17, v13  }
0x64: {  	[tilespmem:v9+s7+$0x0] =	vst.idx.msk $0xffff, v19;
	v19 =	vsel vm5, v17, v13  }
0x65: {  	[tilespmem:v10+s7+$0x0] =	vst.idx.msk $0xffff, v21  }
.Ltmp0:
0x66: {  	vm2 =	veq.s32 v15, $0x4;
	[tilespmem:v11+s7+$0x0] =	vst.idx.msk $0xffff, v22;
	(pc) =	sbr.rel @p0 .LBB2_2-.Ltmp0, $4  }
0x67: {  	v9 =	vor.u32 s9, v0;
	v11 =	vsel vm2, v17, v13;
	vm2 =	veq.s32 v15, $0x5;
	[tilespmem:v14+s7+$0x0] =	vst.idx.msk $0xffff, v19  }
0x68: {  	v10 =	vor.u32 s9, v1;
	[tilespmem:v16+s7+$0x0] =	vst.idx.msk $0xffff, v11;
	v11 =	vsel vm2, v17, v13  }
0x69: {  	v14 =	vsel vm1, v17, v13;
	[tilespmem:v18+s7+$0x0] =	vst.idx.msk $0xffff, v11  }
0x6a: {  	v13 =	vsel vm0, v13, v17;
	v11 =	vor.u32 s9, v2;
	[tilespmem:v20+s7+$0x0] =	vst.idx.msk $0xffff, v14  }
0x6b: {  	_ =	sdelay $0x3  }
0x6c: {  	[tilespmem:v12+s7+$0x0] =	vst.idx.msk $0xffff, v13  }
0x6d: {  	v51 =	vor.u32 s9, v3;
	v12 =	vld.idx.msk [tilespmem:v9+s2+$0x0], $0xffff  }
0x6e: {  	v14 =	vld.idx.msk [tilespmem:v10+s2+$0x0], $0xffff  }
0x6f: {  	v15 =	vor.u32 s9, v4  }
0x70: {  	v16 =	vld.idx.msk [tilespmem:v11+s2+$0x0], $0xffff  }
0x71: {  	v17 =	vor.u32 s9, v5  }
0x72: {  	v18 =	vld.idx.msk [tilespmem:v51+s2+$0x0], $0xffff  }
0x73: {  	v19 =	vor.u32 s9, v6;
	vm2 =	vgt.f32 v14, v12  }
0x74: {  	v20 =	vld.idx.msk [tilespmem:v15+s2+$0x0], $0xffff;
	v12 =	vsel vm2, v14, v12  }
0x75: {  	v52 =	vor.u32 s9, v7;
	vm3 =	vgt.f32 v16, v12  }
0x76: {  	v21 =	vld.idx.msk [tilespmem:v17+s2+$0x0], $0xffff;
	v12 =	vsel vm3, v16, v12  }
0x77: {  	vm4 =	vgt.f32 v18, v12  }
0x78: {  	v53 =	vld.idx.msk [tilespmem:v19+s2+$0x0], $0xffff;
	v12 =	vsel vm4, v18, v12  }
0x79: {  	vm5 =	vgt.f32 v20, v12  }
0x7a: {  	v54 =	vld.idx.msk [tilespmem:v52+s2+$0x0], $0xffff;
	v12 =	vsel vm5, v20, v12  }
0x7b: {  	vm6 =	vgt.f32 v21, v12  }
0x7c: {  	v12 =	vsel vm6, v21, v12  }
0x7d: {  	vm1 =	vgt.f32 v53, v12  }
0x7e: {  	v12 =	vsel vm1, v53, v12  }
0x7f: {  	vm0 =	vgt.f32 v54, v12  }
0x80: {  	vm0 =	vmneg vm0  }
0x81: {  	v12 =	vsel vm0, v12, v54  }
0x82: {  	v55 =	vmax.f32 v12, $1.000000000e+06  }
0x83: {  	v56 =	vsub.f32 $1.000000000e+06, v55;
	_ =	sdelay $0x1  }
0x84: {  	v12 =	vsub.f32 v12, v55;
	v57 =	vmul.f32 $1.442695020e+00, v56;
	_ =	sdelay $0x1  }
0x85: {  	v12 =	vmul.f32 $1.442695020e+00, v12;
	(erf) = vpow2.f32 v57;
	_ =	sdelay $0x1  }
0x86: {  	(erf) = vpow2.f32 v12;
	_ =	sdelay $0x6  }
0x87: {  	v58 =	vpop (erf)  }
0x88: {  	v59 =	vmul.f32 $7.000000000e+00, v58  }
0x89: {  	v60 =	vpop (erf)  }
0x8a: {  	v16 =	vadd.f32 v59, v60;
	_ =	sdelay $0x1  }
0x8b: {  	(erf) = vrcp.f32 v16;
	_ =	sdelay $0x3  }
0x8c: {  	v61 =	vsel vm2, $0x1, v8  }
0x8d: {  	v16 =	vsel vm3, $0x2, v61  }
0x8e: {  	v16 =	vsel vm4, $0x3, v16  }
0x8f: {  	v16 =	vsel vm5, $0x4, v16  }
0x90: {  	v16 =	vsel vm6, $0x5, v16  }
0x91: {  	v16 =	vsel vm1, $0x6, v16;
	v62 =	vpop (erf)  }
0x92: {  	v16 =	vnsel vm0, $0x7, v16;
	v12 =	vmul.f32 v62, v58;
	v18 =	vmul.f32 v62, v60  }
0x93: {  	vm10 =	veq.s32 v16, $0x0  }
0x94: {  	vm11 =	veq.s32 v16, $0x1;
	v20 =	vsel vm10, v18, v12  }
0x95: {  	vm12 =	veq.s32 v16, $0x2;
	v63 =	vsel vm11, v18, v12;
	[tilespmem:v9+s7+$0x0] =	vst.idx.msk $0xffff, v20  }
0x96: {  	vm13 =	veq.s32 v16, $0x3;
	v9 =	vsel vm12, v18, v12;
	[tilespmem:v10+s7+$0x0] =	vst.idx.msk $0xffff, v63  }
0x97: {  	vm14 =	veq.s32 v16, $0x4;
	v10 =	vsel vm13, v18, v12;
	[tilespmem:v11+s7+$0x0] =	vst.idx.msk $0xffff, v9  }
0x98: {  	vm15 =	veq.s32 v16, $0x5;
	v9 =	vsel vm14, v18, v12;
	[tilespmem:v51+s7+$0x0] =	vst.idx.msk $0xffff, v10  }
0x99: {  	vm1 =	vmand vm1, vm0;
	[tilespmem:v15+s7+$0x0] =	vst.idx.msk $0xffff, v9;
	v9 =	vsel vm15, v18, v12  }
0x9a: {  	s8 =	sadd.s32 $0x1, s8;
	[tilespmem:v17+s7+$0x0] =	vst.idx.msk $0xffff, v9;
	v9 =	vsel vm1, v18, v12  }
0x9b: {  	p0 =	sne.s32 s8, s5;
	[tilespmem:v19+s7+$0x0] =	vst.idx.msk $0xffff, v9;
	v9 =	vsel vm0, v12, v18  }
.Ltmp1:
0x9c: {  	[tilespmem:v52+s7+$0x0] =	vst.idx.msk $0xffff, v9;
	(pc) =	sbr.rel @p0 .LBB2_1-.Ltmp1, $4  }
0x9d: {  	[hbm4b:s4+s2] =	stream.linear.scatter [tilespmem:s7], [sflag:$0x1], $0x2000, $0x38;
	[tilespmem:$0x4000] =	vst v63  }
0x9e: {  	_ =	swait.ge [sflag:s6], $0x2000  }
0x9f: {  	[sflag:s6] =	ssyncset.done $0x0  }
0xa0: {  	[sflag:s6] =	ssyncadd.s32 $0xFFFFE000  }
0xa1: {  	_ =	sfence.sel $0x180000  }
0xa2: {  	[bflag:$0x0] =	sbarrier.arrive $0xFFFF  }
0xa3: {  	p0 =	sne.s32 s1, $0x0;
	_ =	strace $0x90000047  }
0xa4: {  	s0 =	sadd.s32 @!p0 $0x100000, s0;
	[bflag:$0x2] =	sbarrier.arrive $0xFFFF  }
0xa5: {  	[sflag:s0] =	ssyncadd.tile.s32 @!p0 $0x1;
	_ =	shalt  }
.Lfunc_end2:
_tile_overlayer_lowered:
.L_overlay_start_2:
0xa6: {  	(tag) =	ssettag $0x2  }
0xa7: {  	s0 =	rddreg [dreg:$0x0];
	s2 =	stileid.u32  }
0xa8: {  	s1 =	rddreg [dreg:$0x1];
	p0 =	sne.s32 s2, $0x0  }
0xa9: {  	s3 =	rddreg [dreg:$0x2];
	[bflag:$0x3] =	sbarrier.arrive $0xFFFF;
	s2 =	simm.s32 @!p0 $0x1C01  }
0xaa: {  	[timem:s3], [sflag:s2] =	dma.local @!p0 [hbm:s0], s1  }
0xab: {  	s0 =	simm.s32 @!p0 $0x1  }
0xac: {  	_ =	swait.ge @!p0 [sflag:s0], s1  }
0xad: {  	s1 =	ssub.s32 @!p0 $0x0, s1;
	[sflag:s0] =	ssyncset.done @!p0 $0x0  }
0xae: {  	[sflag:s0] =	ssyncadd.s32 @!p0 s1  }
0xaf: {  	[bflag:$0x3] =	sbarrier.arrive $0xFFFF  }
0xb0: {  	_ =	shalt  }

</sc_bundles>
